<compile_context>
chip_gen: v7x
topology: tpu7x:2x2x1
jax: 0.10.2.dev20260603
libtpu: 0.0.44.dev20260713+nightly
codegen_flags: <defaults>
</compile_context>

<pallas_src>
import functools

import jax
import jax.numpy as jnp
from jax import lax
from jax.experimental import pallas as pl
from jax.experimental.pallas import tpu as pltpu
from jax.experimental.pallas import tpu_sc as plsc

BATCH = 128
D_IN = 2048
D_OUT = 8192
K_TOP = 246
K_TILE = 256
N_K = D_IN // K_TILE

NC = 2
NS = 16
L = 16
NW = NC * NS
ROWS_PER_W = BATCH // NW
NVEC = D_OUT // L
NB1 = 2048
NGV = NB1 // L
NG = NGV // L



def _mm_body(x_ref, w_ref, o_ref):
    i = pl.program_id(0)

    @pl.when(i == 0)
    def _init():
        o_ref[...] = jnp.zeros_like(o_ref)

    o_ref[...] += jnp.dot(x_ref[...], w_ref[...],
                          preferred_element_type=jnp.float32)


def _matmul(image, input_projection):
    return pl.pallas_call(
        _mm_body,
        grid=(N_K,),
        in_specs=[
            pl.BlockSpec((BATCH, K_TILE), lambda i: (0, i)),
            pl.BlockSpec((K_TILE, D_OUT), lambda i: (i, 0)),
        ],
        out_specs=pl.BlockSpec((BATCH, D_OUT), lambda i: (0, 0)),
        out_shape=jax.ShapeDtypeStruct((BATCH, D_OUT), jnp.float32),
        compiler_params=pltpu.CompilerParams(
            dimension_semantics=("arbitrary",),
        ),
    )(image, input_projection)



def _suffix(v):
    return lax.rev(jnp.cumsum(lax.rev(v, (0,)), axis=0), (0,))


def _lane_pick(vec, idx):
    lane = lax.iota(jnp.int32, L)
    return jnp.sum(jnp.where(lane == idx, vec, 0))


def _sc_select(proj):
    mesh = plsc.VectorSubcoreMesh(core_axis_name="c", subcore_axis_name="s")

    @functools.partial(
        pl.kernel,
        out_type=jax.ShapeDtypeStruct((BATCH, D_OUT), jnp.float32),
        mesh=mesh,
        compiler_params=pltpu.CompilerParams(needs_layout_passes=False),
        scratch_types=[
            pltpu.VMEM((D_OUT,), jnp.float32),
            pltpu.VMEM((D_OUT,), jnp.int32),
            pltpu.VMEM((D_OUT,), jnp.float32),
            pltpu.VMEM((D_OUT + L,), jnp.int32),
            pltpu.VMEM((L * NB1,), jnp.int32),
            pltpu.VMEM((L * NGV,), jnp.int32),
            pltpu.VMEM((NGV,), jnp.int32),
        ],
    )
    def sel(proj_hbm, out_hbm, row_v, key_v, mask_v, cand_v, fine, coarse, vt_v):
        wid = lax.axis_index("s") * NC + lax.axis_index("c")
        lane = lax.iota(jnp.int32, L)
        ones = jnp.ones((L,), jnp.int32)
        zeros = jnp.zeros((L,), jnp.int32)

        lane_f = lane * NB1
        lane_c = lane * NGV

        def zf(i, c):
            fine[pl.ds(i * L, L)] = zeros
            return c
        lax.fori_loop(0, L * NB1 // L, zf, 0)
        def zc(i, c):
            coarse[pl.ds(i * L, L)] = zeros
            return c
        lax.fori_loop(0, L * NGV // L, zc, 0)

        def do_row(r, carry0):
            row = wid * ROWS_PER_W + r
            pltpu.sync_copy(proj_hbm.at[row], row_v)

            def p1(j, c):
                x = row_v[pl.ds(j * L, L)]
                bits = lax.bitcast_convert_type(x, jnp.int32)
                key = jnp.where(bits < 0, bits ^ jnp.int32(0x7FFFFFFF), bits)
                key_v[pl.ds(j * L, L)] = key
                b1 = (key >> 21) + NB1 // 2
                plsc.addupdate_scatter(fine, [lane_f + b1], ones)
                plsc.addupdate_scatter(coarse, [lane_c + (b1 >> 4)], ones)
                return c
            lax.fori_loop(0, NVEC, p1, 0)

            def ga(g, c):
                acc = coarse[pl.ds(g * L, L)]
                for l in range(1, L):
                    acc = acc + coarse[pl.ds(l * NGV + g * L, L)]
                vt_v[pl.ds(g * L, L)] = acc
                return c
            lax.fori_loop(0, NG, ga, 0)

            def gb(gi, c):
                above, vstar, kp = c
                g = NG - 1 - gi
                vtg = vt_v[pl.ds(g * L, L)]
                s = _suffix(vtg)
                tot = jnp.sum(vtg)
                not_found = vstar < 0
                found_here = jnp.logical_and(not_found, above + tot >= K_TOP)
                cnt = jnp.sum((s + above >= K_TOP).astype(jnp.int32))
                vloc = cnt - 1
                sv = _lane_pick(s, vloc)
                vv = _lane_pick(vtg, vloc)
                kp_new = K_TOP - (above + sv - vv)
                vstar = jnp.where(found_here, g * L + vloc, vstar)
                kp = jnp.where(found_here, kp_new, kp)
                above = jnp.where(
                    jnp.logical_and(not_found, jnp.logical_not(found_here)),
                    above + tot, above)
                return above, vstar, kp
            _, vstar, kp = lax.fori_loop(0, NG, gb, (0, -1, 0))

            bacc = fine[pl.ds(vstar * L, L)]
            for l in range(1, L):
                bacc = bacc + fine[pl.ds(l * NB1 + vstar * L, L)]
            s2 = _suffix(bacc)
            cnt2 = jnp.sum((s2 >= kp).astype(jnp.int32))
            tloc = cnt2 - 1
            s2v = _lane_pick(s2, tloc)
            bv = _lane_pick(bacc, tloc)
            b1star = vstar * L + tloc
            krem = kp - (s2v - bv)

            def p2(j, off):
                key = key_v[pl.ds(j * L, L)]
                b1 = (key >> 21) + NB1 // 2
                plsc.store_scatter(fine, [lane_f + b1], zeros)
                plsc.store_scatter(coarse, [lane_c + (b1 >> 4)], zeros)
                m = b1 == b1star
                plsc.store_compressed(cand_v.at[pl.ds(off, L)], key, mask=m)
                return off + jnp.sum(m.astype(jnp.int32))
            m1 = lax.fori_loop(0, NVEC, p2, 0)
            cand_v[pl.ds(m1, L)] = jnp.full((L,), -0x80000000, jnp.int32)

            nv2 = (m1 + L - 1) // L
            lo0 = (b1star - NB1 // 2) << 21
            hi0 = lo0 + (1 << 21) - 1

            def bs(i, c):
                lo, hi = c
                floor_avg = (lo & hi) + ((lo ^ hi) >> 1)
                mid = floor_avg + ((lo ^ hi) & 1)

                def cntb(j, acc):
                    ck = cand_v[pl.ds(j * L, L)]
                    return acc + jnp.sum((ck >= mid).astype(jnp.int32))
                cnt = lax.fori_loop(0, nv2, cntb, 0)
                pred = cnt >= krem
                lo = jnp.where(pred, mid, lo)
                hi = jnp.where(pred, hi, mid - 1)
                return lo, hi
            thresh, _ = lax.fori_loop(0, 21, bs, (lo0, hi0))

            one_f = jnp.ones((L,), jnp.float32)
            zero_f = jnp.zeros((L,), jnp.float32)

            def p3(j, c):
                key = key_v[pl.ds(j * L, L)]
                mask_v[pl.ds(j * L, L)] = jnp.where(key >= thresh, one_f, zero_f)
                return c
            lax.fori_loop(0, NVEC, p3, 0)

            pltpu.sync_copy(mask_v, out_hbm.at[row])
            return carry0

        lax.fori_loop(0, ROWS_PER_W, do_row, 0)

    return sel(proj)


def kernel(image, input_projection):
    return _sc_select(_matmul(image, input_projection))

# --- scband reference (transcript-rebuilt; emitter-appended) ---
"""Pipeline reference for scband-pyramidal-neuron-23021024706905 (READ-ONLY COPY).

The authoritative reference and input builder live on the scoring server;
editing this copy changes nothing except your own understanding.
"""

import jax, jax.numpy as jnp
import numpy as np

BASAL_SIZE = 8192
IMAGE_SIZE = 2048
SPARSITY = 0.03
BATCH = 128

def setup_inputs(seed: int = 0) -> dict:
    key = jax.random.key(seed)
    k1, k2 = jax.random.split(key)
    image = jax.random.normal(k1, (BATCH, IMAGE_SIZE), dtype=jnp.float32)
    input_projection = jax.random.normal(k2, (IMAGE_SIZE, BASAL_SIZE), dtype=jnp.float32) * 0.1
    return {"image": image, "input_projection": input_projection}

def reference(image, input_projection):
    # basal_encoder: project, take top-k per row, build binary sparse mask
    projected = jnp.matmul(image, input_projection)
    k = int(round(BASAL_SIZE * SPARSITY))  # 246
    _, top_indices = jax.lax.top_k(projected, k)
    rows = jnp.arange(projected.shape[0])[:, None]
    basal_features = jnp.zeros_like(projected).at[rows, top_indices].set(1.0)
    return basal_features

if __name__ == "__main__":
    import jax
    _d = setup_inputs()
    print(jax.jit(kernel)(*tuple(_d.values())))

</pallas_src>

<mosaic_0001>
#map = affine_map<(d0, d1) -> (0, 0)>
module attributes {stable_mosaic.version = 14 : i64} {
  func.func @sel(%arg0: i32, %arg1: i32, %arg2: memref<128x8192xf32, #tpu.memory_space<hbm>>, %arg3: memref<128x8192xf32, #tpu.memory_space<hbm>>, %arg4: memref<8192xf32, #tpu.memory_space<vmem>>, %arg5: memref<8192xi32, #tpu.memory_space<vmem>>, %arg6: memref<8192xf32, #tpu.memory_space<vmem>>, %arg7: memref<8208xi32, #tpu.memory_space<vmem>>, %arg8: memref<32768xi32, #tpu.memory_space<vmem>>, %arg9: memref<2048xi32, #tpu.memory_space<vmem>>, %arg10: memref<128xi32, #tpu.memory_space<vmem>>) attributes {dimension_semantics = [#tpu.dimension_semantics<core_parallel>, #tpu.dimension_semantics<subcore_parallel>], iteration_bounds = array<i64: 2, 16>, scalar_prefetch = 0 : i64, scratch_operands = 7 : i64, tpu.core_type = #tpu.core_type<sc_vector_subcore>, window_params = [{transform_indices = #map}, {transform_indices = #map}]} {
    %mul3A = arith.constant 2 : i32
    %mul3A_0 = arith.muli %arg1, %mul3A : i32
    %add3A = arith.addi %mul3A_0, %arg0 : i32
    %iota3A = tpu.iota {dimensions = array<i32: 0>} : vector<16xi32>
    %broadcast_in_dim3A = arith.constant 1 : i32
    %broadcast_in_dim3A_1 = vector.broadcast %broadcast_in_dim3A : i32 to vector<16xi32>
    %broadcast_in_dim3A_2 = arith.constant 0 : i32
    %broadcast_in_dim3A_3 = vector.broadcast %broadcast_in_dim3A_2 : i32 to vector<16xi32>
    %mul3A_4 = arith.constant 2048 : i32
    %mul3A_5 = vector.broadcast %mul3A_4 : i32 to vector<16xi32>
    %mul3A_6 = arith.muli %iota3A, %mul3A_5 : vector<16xi32>
    %mul3A_7 = arith.constant 128 : i32
    %mul3A_8 = vector.broadcast %mul3A_7 : i32 to vector<16xi32>
    %mul3A_9 = arith.muli %iota3A, %mul3A_8 : vector<16xi32>
    %scan3A = arith.constant 0 : i32
    %scan3A_10 = arith.constant 0 : i32
    %scan3A_11 = arith.constant 2048 : i32
    %scan3A_12 = arith.addi %scan3A_10, %scan3A_11 : i32
    %scan3A_13 = arith.constant 1 : i32
    scf.for %scan3A_27 = %scan3A_10 to %scan3A_12 step %scan3A_13  : i32 {
      %mul3A_28 = arith.constant 16 : i32
      %mul3A_29 = arith.muli %scan3A_27, %mul3A_28 : i32
      %swap3A = arith.index_cast %mul3A_29 : i32 to index
      %swap3A_30 = tpu.vector_load %arg8[%swap3A] {strides = array<i32>} : memref<32768xi32, #tpu.memory_space<vmem>>, vector<16xi32>,
      tpu.vector_store %arg8[%swap3A], %broadcast_in_dim3A_3 {strides = array<i32>} : memref<32768xi32, #tpu.memory_space<vmem>>, vector<16xi32>,
    }
    %scan3A_14 = arith.constant 2048 : i32
    %scan3A_15 = arith.constant 0 : i32
    %scan3A_16 = arith.constant 0 : i32
    %scan3A_17 = arith.constant 128 : i32
    %scan3A_18 = arith.addi %scan3A_16, %scan3A_17 : i32
    %scan3A_19 = arith.constant 1 : i32
    scf.for %scan3A_27 = %scan3A_16 to %scan3A_18 step %scan3A_19  : i32 {
      %mul3A_28 = arith.constant 16 : i32
      %mul3A_29 = arith.muli %scan3A_27, %mul3A_28 : i32
      %swap3A = arith.index_cast %mul3A_29 : i32 to index
      %swap3A_30 = tpu.vector_load %arg9[%swap3A] {strides = array<i32>} : memref<2048xi32, #tpu.memory_space<vmem>>, vector<16xi32>,
      tpu.vector_store %arg9[%swap3A], %broadcast_in_dim3A_3 {strides = array<i32>} : memref<2048xi32, #tpu.memory_space<vmem>>, vector<16xi32>,
    }
    %scan3A_20 = arith.constant 128 : i32
    %scan3A_21 = arith.constant 0 : i32
    %scan3A_22 = arith.constant 0 : i32
    %scan3A_23 = arith.constant 4 : i32
    %scan3A_24 = arith.addi %scan3A_22, %scan3A_23 : i32
    %scan3A_25 = arith.constant 1 : i32
    scf.for %scan3A_27 = %scan3A_22 to %scan3A_24 step %scan3A_25  : i32 {
      %mul3A_28 = arith.constant 4 : i32
      %mul3A_29 = arith.muli %add3A, %mul3A_28 : i32
      %add3A_30 = arith.addi %mul3A_29, %scan3A_27 : i32
      "tpu.region"() ({
        %run_scoped3A = tpu.sem_alloc : memref<!tpu.dma_semaphore, #tpu.memory_space<semaphore_mem>>
        %dma_start3A = arith.constant 0 : i32
        %dma_start3A_254 = tpu.memref_slice %arg2[%add3A_30, %dma_start3A] : memref<128x8192xf32, #tpu.memory_space<hbm>> -> memref<1x8192xf32, #tpu.memory_space<hbm>>
        %dma_start3A_255 = tpu.memref_squeeze %dma_start3A_254 : memref<1x8192xf32, #tpu.memory_space<hbm>> -> memref<8192xf32, #tpu.memory_space<hbm>>
        %dma_start3A_256 = arith.constant 0 : i32
        %dma_start3A_257 = tpu.memref_slice %arg2[%add3A_30, %dma_start3A_256] : memref<128x8192xf32, #tpu.memory_space<hbm>> -> memref<1x8192xf32, #tpu.memory_space<hbm>>
        %dma_start3A_258 = tpu.memref_squeeze %dma_start3A_257 : memref<1x8192xf32, #tpu.memory_space<hbm>> -> memref<8192xf32, #tpu.memory_space<hbm>>
        tpu.enqueue_dma source(%dma_start3A_258 : memref<8192xf32, #tpu.memory_space<hbm>>) target(%arg4 : memref<8192xf32, #tpu.memory_space<vmem>>) target_semaphore(%run_scoped3A : memref<!tpu.dma_semaphore, #tpu.memory_space<semaphore_mem>>)
        %dma_wait3A = arith.constant 0 : i32
        %dma_wait3A_259 = tpu.memref_slice %arg2[%add3A_30, %dma_wait3A] : memref<128x8192xf32, #tpu.memory_space<hbm>> -> memref<1x8192xf32, #tpu.memory_space<hbm>>
        %dma_wait3A_260 = tpu.memref_squeeze %dma_wait3A_259 : memref<1x8192xf32, #tpu.memory_space<hbm>> -> memref<8192xf32, #tpu.memory_space<hbm>>
        %dma_wait3A_261 = arith.constant 0 : i32
        %dma_wait3A_262 = tpu.memref_slice %arg2[%add3A_30, %dma_wait3A_261] : memref<128x8192xf32, #tpu.memory_space<hbm>> -> memref<1x8192xf32, #tpu.memory_space<hbm>>
        %dma_wait3A_263 = tpu.memref_squeeze %dma_wait3A_262 : memref<1x8192xf32, #tpu.memory_space<hbm>> -> memref<8192xf32, #tpu.memory_space<hbm>>
        tpu.wait_dma2 semaphore(%run_scoped3A : memref<!tpu.dma_semaphore, #tpu.memory_space<semaphore_mem>>) src(%dma_wait3A_263 : memref<8192xf32, #tpu.memory_space<hbm>>) dst(%arg4 : memref<8192xf32, #tpu.memory_space<vmem>>)
        tpu.yield
      }) : () -> ()
      %scan3A_31 = arith.constant 0 : i32
      %scan3A_32 = arith.constant 0 : i32
      %scan3A_33 = arith.constant 512 : i32
      %scan3A_34 = arith.addi %scan3A_32, %scan3A_33 : i32
      %scan3A_35 = arith.constant 1 : i32
      scf.for %scan3A_254 = %scan3A_32 to %scan3A_34 step %scan3A_35  : i32 {
        %mul3A_255 = arith.constant 16 : i32
        %mul3A_256 = arith.muli %scan3A_254, %mul3A_255 : i32
        %get3A_257 = arith.index_cast %mul3A_256 : i32 to index
        %get3A_258 = tpu.vector_load %arg4[%get3A_257] {strides = array<i32>} : memref<8192xf32, #tpu.memory_space<vmem>>, vector<16xf32>,
        %bitcast_convert_type3A = tpu.bitcast %get3A_258 : vector<16xf32> -> vector<16xi32>
        %lt3A = arith.constant 0 : i32
        %lt3A_259 = vector.broadcast %lt3A : i32 to vector<16xi32>
        %lt3A_260 = arith.cmpi slt, %bitcast_convert_type3A, %lt3A_259 : vector<16xi32>
        %xor3A = arith.constant 2147483647 : i32
        %xor3A_261 = vector.broadcast %xor3A : i32 to vector<16xi32>
        %xor3A_262 = arith.xori %bitcast_convert_type3A, %xor3A_261 : vector<16xi32>
        %select_n3A_263 = arith.select %lt3A_260, %xor3A_262, %bitcast_convert_type3A : vector<16xi1>, vector<16xi32>
        %mul3A_264 = arith.constant 16 : i32
        %mul3A_265 = arith.muli %scan3A_254, %mul3A_264 : i32
        %swap3A_266 = arith.index_cast %mul3A_265 : i32 to index
        %swap3A_267 = tpu.vector_load %arg5[%swap3A_266] {strides = array<i32>} : memref<8192xi32, #tpu.memory_space<vmem>>, vector<16xi32>,
        tpu.vector_store %arg5[%swap3A_266], %select_n3A_263 {strides = array<i32>} : memref<8192xi32, #tpu.memory_space<vmem>>, vector<16xi32>,
        %shift_right_arithmetic3A = arith.constant 21 : i32
        %shift_right_arithmetic3A_268 = vector.broadcast %shift_right_arithmetic3A : i32 to vector<16xi32>
        %shift_right_arithmetic3A_269 = arith.shrsi %select_n3A_263, %shift_right_arithmetic3A_268 : vector<16xi32>
        %add3A_270 = arith.constant 1024 : i32
        %add3A_271 = vector.broadcast %add3A_270 : i32 to vector<16xi32>
        %add3A_272 = arith.addi %shift_right_arithmetic3A_269, %add3A_271 : vector<16xi32>
        %add3A_273 = arith.addi %mul3A_6, %add3A_272 : vector<16xi32>
        tpu.vector_store_idx %arg8[%add3A_273], %broadcast_in_dim3A_1 {add = true} : memref<32768xi32, #tpu.memory_space<vmem>>[vector<16xi32>], vector<16xi32>,
        %shift_right_arithmetic3A_274 = arith.constant 4 : i32
        %shift_right_arithmetic3A_275 = vector.broadcast %shift_right_arithmetic3A_274 : i32 to vector<16xi32>
        %shift_right_arithmetic3A_276 = arith.shrsi %add3A_272, %shift_right_arithmetic3A_275 : vector<16xi32>
        %add3A_277 = arith.addi %mul3A_9, %shift_right_arithmetic3A_276 : vector<16xi32>
        tpu.vector_store_idx %arg9[%add3A_277], %broadcast_in_dim3A_1 {add = true} : memref<2048xi32, #tpu.memory_space<vmem>>[vector<16xi32>], vector<16xi32>,
      }
      %scan3A_36 = arith.constant 512 : i32
      %scan3A_37 = arith.constant 0 : i32
      %scan3A_38 = arith.constant 0 : i32
      %scan3A_39 = arith.constant 8 : i32
      %scan3A_40 = arith.addi %scan3A_38, %scan3A_39 : i32
      %scan3A_41 = arith.constant 1 : i32
      scf.for %scan3A_254 = %scan3A_38 to %scan3A_40 step %scan3A_41  : i32 {
        %mul3A_255 = arith.constant 16 : i32
        %mul3A_256 = arith.muli %scan3A_254, %mul3A_255 : i32
        %get3A_257 = arith.index_cast %mul3A_256 : i32 to index
        %get3A_258 = tpu.vector_load %arg9[%get3A_257] {strides = array<i32>} : memref<2048xi32, #tpu.memory_space<vmem>>, vector<16xi32>,
        %mul3A_259 = arith.constant 16 : i32
        %mul3A_260 = arith.muli %scan3A_254, %mul3A_259 : i32
        %add3A_261 = arith.constant 128 : i32
        %add3A_262 = arith.addi %add3A_261, %mul3A_260 : i32
        %get3A_263 = arith.index_cast %add3A_262 : i32 to index
        %get3A_264 = tpu.vector_load %arg9[%get3A_263] {strides = array<i32>} : memref<2048xi32, #tpu.memory_space<vmem>>, vector<16xi32>,
        %add3A_265 = arith.addi %get3A_258, %get3A_264 : vector<16xi32>
        %mul3A_266 = arith.constant 16 : i32
        %mul3A_267 = arith.muli %scan3A_254, %mul3A_266 : i32
        %add3A_268 = arith.constant 256 : i32
        %add3A_269 = arith.addi %add3A_268, %mul3A_267 : i32
        %get3A_270 = arith.index_cast %add3A_269 : i32 to index
        %get3A_271 = tpu.vector_load %arg9[%get3A_270] {strides = array<i32>} : memref<2048xi32, #tpu.memory_space<vmem>>, vector<16xi32>,
        %add3A_272 = arith.addi %add3A_265, %get3A_271 : vector<16xi32>
        %mul3A_273 = arith.constant 16 : i32
        %mul3A_274 = arith.muli %scan3A_254, %mul3A_273 : i32
        %add3A_275 = arith.constant 384 : i32
        %add3A_276 = arith.addi %add3A_275, %mul3A_274 : i32
        %get3A_277 = arith.index_cast %add3A_276 : i32 to index
        %get3A_278 = tpu.vector_load %arg9[%get3A_277] {strides = array<i32>} : memref<2048xi32, #tpu.memory_space<vmem>>, vector<16xi32>,
        %add3A_279 = arith.addi %add3A_272, %get3A_278 : vector<16xi32>
        %mul3A_280 = arith.constant 16 : i32
        %mul3A_281 = arith.muli %scan3A_254, %mul3A_280 : i32
        %add3A_282 = arith.constant 512 : i32
        %add3A_283 = arith.addi %add3A_282, %mul3A_281 : i32
        %get3A_284 = arith.index_cast %add3A_283 : i32 to index
        %get3A_285 = tpu.vector_load %arg9[%get3A_284] {strides = array<i32>} : memref<2048xi32, #tpu.memory_space<vmem>>, vector<16xi32>,
        %add3A_286 = arith.addi %add3A_279, %get3A_285 : vector<16xi32>
        %mul3A_287 = arith.constant 16 : i32
        %mul3A_288 = arith.muli %scan3A_254, %mul3A_287 : i32
        %add3A_289 = arith.constant 640 : i32
        %add3A_290 = arith.addi %add3A_289, %mul3A_288 : i32
        %get3A_291 = arith.index_cast %add3A_290 : i32 to index
        %get3A_292 = tpu.vector_load %arg9[%get3A_291] {strides = array<i32>} : memref<2048xi32, #tpu.memory_space<vmem>>, vector<16xi32>,
        %add3A_293 = arith.addi %add3A_286, %get3A_292 : vector<16xi32>
        %mul3A_294 = arith.constant 16 : i32
        %mul3A_295 = arith.muli %scan3A_254, %mul3A_294 : i32
        %add3A_296 = arith.constant 768 : i32
        %add3A_297 = arith.addi %add3A_296, %mul3A_295 : i32
        %get3A_298 = arith.index_cast %add3A_297 : i32 to index
        %get3A_299 = tpu.vector_load %arg9[%get3A_298] {strides = array<i32>} : memref<2048xi32, #tpu.memory_space<vmem>>, vector<16xi32>,
        %add3A_300 = arith.addi %add3A_293, %get3A_299 : vector<16xi32>
        %mul3A_301 = arith.constant 16 : i32
        %mul3A_302 = arith.muli %scan3A_254, %mul3A_301 : i32
        %add3A_303 = arith.constant 896 : i32
        %add3A_304 = arith.addi %add3A_303, %mul3A_302 : i32
        %get3A_305 = arith.index_cast %add3A_304 : i32 to index
        %get3A_306 = tpu.vector_load %arg9[%get3A_305] {strides = array<i32>} : memref<2048xi32, #tpu.memory_space<vmem>>, vector<16xi32>,
        %add3A_307 = arith.addi %add3A_300, %get3A_306 : vector<16xi32>
        %mul3A_308 = arith.constant 16 : i32
        %mul3A_309 = arith.muli %scan3A_254, %mul3A_308 : i32
        %add3A_310 = arith.constant 1024 : i32
        %add3A_311 = arith.addi %add3A_310, %mul3A_309 : i32
        %get3A_312 = arith.index_cast %add3A_311 : i32 to index
        %get3A_313 = tpu.vector_load %arg9[%get3A_312] {strides = array<i32>} : memref<2048xi32, #tpu.memory_space<vmem>>, vector<16xi32>,
        %add3A_314 = arith.addi %add3A_307, %get3A_313 : vector<16xi32>
        %mul3A_315 = arith.constant 16 : i32
        %mul3A_316 = arith.muli %scan3A_254, %mul3A_315 : i32
        %add3A_317 = arith.constant 1152 : i32
        %add3A_318 = arith.addi %add3A_317, %mul3A_316 : i32
        %get3A_319 = arith.index_cast %add3A_318 : i32 to index
        %get3A_320 = tpu.vector_load %arg9[%get3A_319] {strides = array<i32>} : memref<2048xi32, #tpu.memory_space<vmem>>, vector<16xi32>,
        %add3A_321 = arith.addi %add3A_314, %get3A_320 : vector<16xi32>
        %mul3A_322 = arith.constant 16 : i32
        %mul3A_323 = arith.muli %scan3A_254, %mul3A_322 : i32
        %add3A_324 = arith.constant 1280 : i32
        %add3A_325 = arith.addi %add3A_324, %mul3A_323 : i32
        %get3A_326 = arith.index_cast %add3A_325 : i32 to index
        %get3A_327 = tpu.vector_load %arg9[%get3A_326] {strides = array<i32>} : memref<2048xi32, #tpu.memory_space<vmem>>, vector<16xi32>,
        %add3A_328 = arith.addi %add3A_321, %get3A_327 : vector<16xi32>
        %mul3A_329 = arith.constant 16 : i32
        %mul3A_330 = arith.muli %scan3A_254, %mul3A_329 : i32
        %add3A_331 = arith.constant 1408 : i32
        %add3A_332 = arith.addi %add3A_331, %mul3A_330 : i32
        %get3A_333 = arith.index_cast %add3A_332 : i32 to index
        %get3A_334 = tpu.vector_load %arg9[%get3A_333] {strides = array<i32>} : memref<2048xi32, #tpu.memory_space<vmem>>, vector<16xi32>,
        %add3A_335 = arith.addi %add3A_328, %get3A_334 : vector<16xi32>
        %mul3A_336 = arith.constant 16 : i32
        %mul3A_337 = arith.muli %scan3A_254, %mul3A_336 : i32
        %add3A_338 = arith.constant 1536 : i32
        %add3A_339 = arith.addi %add3A_338, %mul3A_337 : i32
        %get3A_340 = arith.index_cast %add3A_339 : i32 to index
        %get3A_341 = tpu.vector_load %arg9[%get3A_340] {strides = array<i32>} : memref<2048xi32, #tpu.memory_space<vmem>>, vector<16xi32>,
        %add3A_342 = arith.addi %add3A_335, %get3A_341 : vector<16xi32>
        %mul3A_343 = arith.constant 16 : i32
        %mul3A_344 = arith.muli %scan3A_254, %mul3A_343 : i32
        %add3A_345 = arith.constant 1664 : i32
        %add3A_346 = arith.addi %add3A_345, %mul3A_344 : i32
        %get3A_347 = arith.index_cast %add3A_346 : i32 to index
        %get3A_348 = tpu.vector_load %arg9[%get3A_347] {strides = array<i32>} : memref<2048xi32, #tpu.memory_space<vmem>>, vector<16xi32>,
        %add3A_349 = arith.addi %add3A_342, %get3A_348 : vector<16xi32>
        %mul3A_350 = arith.constant 16 : i32
        %mul3A_351 = arith.muli %scan3A_254, %mul3A_350 : i32
        %add3A_352 = arith.constant 1792 : i32
        %add3A_353 = arith.addi %add3A_352, %mul3A_351 : i32
        %get3A_354 = arith.index_cast %add3A_353 : i32 to index
        %get3A_355 = tpu.vector_load %arg9[%get3A_354] {strides = array<i32>} : memref<2048xi32, #tpu.memory_space<vmem>>, vector<16xi32>,
        %add3A_356 = arith.addi %add3A_349, %get3A_355 : vector<16xi32>
        %mul3A_357 = arith.constant 16 : i32
        %mul3A_358 = arith.muli %scan3A_254, %mul3A_357 : i32
        %add3A_359 = arith.constant 1920 : i32
        %add3A_360 = arith.addi %add3A_359, %mul3A_358 : i32
        %get3A_361 = arith.index_cast %add3A_360 : i32 to index
        %get3A_362 = tpu.vector_load %arg9[%get3A_361] {strides = array<i32>} : memref<2048xi32, #tpu.memory_space<vmem>>, vector<16xi32>,
        %add3A_363 = arith.addi %add3A_356, %get3A_362 : vector<16xi32>
        %mul3A_364 = arith.constant 16 : i32
        %mul3A_365 = arith.muli %scan3A_254, %mul3A_364 : i32
        %swap3A_366 = arith.index_cast %mul3A_365 : i32 to index
        %swap3A_367 = tpu.vector_load %arg10[%swap3A_366] {strides = array<i32>} : memref<128xi32, #tpu.memory_space<vmem>>, vector<16xi32>,
        tpu.vector_store %arg10[%swap3A_366], %add3A_363 {strides = array<i32>} : memref<128xi32, #tpu.memory_space<vmem>>, vector<16xi32>,
      }
      %scan3A_42 = arith.constant 8 : i32
      %scan3A_43 = arith.constant 0 : i32
      %scan3A_44 = arith.constant -1 : i32
      %scan3A_45 = arith.constant 0 : i32
      %scan3A_46 = arith.constant 0 : i32
      %scan3A_47 = arith.constant 8 : i32
      %scan3A_48 = arith.addi %scan3A_46, %scan3A_47 : i32
      %scan3A_49 = arith.constant 1 : i32
      %scan3A_50:3 = scf.for %scan3A_254 = %scan3A_46 to %scan3A_48 step %scan3A_49 iter_args(%scan3A_255 = %scan3A_43, %scan3A_256 = %scan3A_44, %scan3A_257 = %scan3A_45) -> (i32, i32, i32)  : i32 {
        %sub3A_258 = arith.constant 7 : i32
        %sub3A_259 = arith.subi %sub3A_258, %scan3A_254 : i32
        %mul3A_260 = arith.constant 16 : i32
        %mul3A_261 = arith.muli %sub3A_259, %mul3A_260 : i32
        %get3A_262 = arith.index_cast %mul3A_261 : i32 to index
        %get3A_263 = tpu.vector_load %arg10[%get3A_262] {strides = array<i32>} : memref<128xi32, #tpu.memory_space<vmem>>, vector<16xi32>,
        %rev3A_264 = arith.constant 15 : i32
        %rev3A_265 = vector.broadcast %rev3A_264 : i32 to vector<16xi32>
        %rev3A_266 = tpu.iota {dimensions = array<i32: 0>} : vector<16xi32>
        %rev3A_267 = arith.subi %rev3A_265, %rev3A_266 : vector<16xi32>
        %rev3A_268 = tpu.dynamic_gather %get3A_263[%rev3A_267] in [0] : vector<16xi32>, vector<16xi32> -> vector<16xi32>
        %cumsum3A_269 = arith.constant true
        %cumsum3A_270 = vector.broadcast %cumsum3A_269 : i1 to vector<16xi1>
        %cumsum3A_271 = tpu.scan <sum>, %rev3A_268 masked %cumsum3A_270 : vector<16xi32>, vector<16xi1> -> vector<16xi32>
        %rev3A_272 = arith.constant 15 : i32
        %rev3A_273 = vector.broadcast %rev3A_272 : i32 to vector<16xi32>
        %rev3A_274 = tpu.iota {dimensions = array<i32: 0>} : vector<16xi32>
        %rev3A_275 = arith.subi %rev3A_273, %rev3A_274 : vector<16xi32>
        %rev3A_276 = tpu.dynamic_gather %cumsum3A_271[%rev3A_275] in [0] : vector<16xi32>, vector<16xi32> -> vector<16xi32>
        %reduce_sum3A_277 = arith.constant true
        %reduce_sum3A_278 = vector.broadcast %reduce_sum3A_277 : i1 to vector<16xi1>
        %reduce_sum3A_279 = tpu.scan <sum>, %get3A_263 masked %reduce_sum3A_278 : vector<16xi32>, vector<16xi1> -> vector<16xi32>
        %reduce_sum3A_280 = vector.extract %reduce_sum3A_279[15] : i32 from vector<16xi32>
        %lt3A = arith.constant 0 : i32
        %lt3A_281 = arith.cmpi slt, %scan3A_256, %lt3A : i32
        %add3A_282 = arith.addi %scan3A_255, %reduce_sum3A_280 : i32
        %ge3A_283 = arith.constant 246 : i32
        %ge3A_284 = arith.cmpi sge, %add3A_282, %ge3A_283 : i32
        %and3A_285 = arith.andi %lt3A_281, %ge3A_284 : i1
        %add3A_286 = vector.broadcast %scan3A_255 : i32 to vector<16xi32>
        %add3A_287 = arith.addi %rev3A_276, %add3A_286 : vector<16xi32>
        %ge3A_288 = arith.constant 246 : i32
        %ge3A_289 = vector.broadcast %ge3A_288 : i32 to vector<16xi32>
        %ge3A_290 = arith.cmpi sge, %add3A_287, %ge3A_289 : vector<16xi32>
        %convert_element_type3A_291 = arith.extui %ge3A_290 : vector<16xi1> to vector<16xi32>
        %reduce_sum3A_292 = arith.constant true
        %reduce_sum3A_293 = vector.broadcast %reduce_sum3A_292 : i1 to vector<16xi1>
        %reduce_sum3A_294 = tpu.scan <sum>, %convert_element_type3A_291 masked %reduce_sum3A_293 : vector<16xi32>, vector<16xi1> -> vector<16xi32>
        %reduce_sum3A_295 = vector.extract %reduce_sum3A_294[15] : i32 from vector<16xi32>
        %sub3A_296 = arith.constant 1 : i32
        %sub3A_297 = arith.subi %reduce_sum3A_295, %sub3A_296 : i32
        %iota3A_298 = tpu.iota {dimensions = array<i32: 0>} : vector<16xi32>
        %eq3A_299 = vector.broadcast %sub3A_297 : i32 to vector<16xi32>
        %eq3A_300 = arith.cmpi eq, %iota3A_298, %eq3A_299 : vector<16xi32>
        %jit3A_301 = arith.constant 0 : i32
        %broadcast_in_dim3A_302 = vector.broadcast %jit3A_301 : i32 to vector<16xi32>
        %select_n3A_303 = arith.select %eq3A_300, %rev3A_276, %broadcast_in_dim3A_302 : vector<16xi1>, vector<16xi32>
        %reduce_sum3A_304 = arith.constant true
        %reduce_sum3A_305 = vector.broadcast %reduce_sum3A_304 : i1 to vector<16xi1>
        %reduce_sum3A_306 = tpu.scan <sum>, %select_n3A_303 masked %reduce_sum3A_305 : vector<16xi32>, vector<16xi1> -> vector<16xi32>
        %reduce_sum3A_307 = vector.extract %reduce_sum3A_306[15] : i32 from vector<16xi32>
        %iota3A_308 = tpu.iota {dimensions = array<i32: 0>} : vector<16xi32>
        %eq3A_309 = vector.broadcast %sub3A_297 : i32 to vector<16xi32>
        %eq3A_310 = arith.cmpi eq, %iota3A_308, %eq3A_309 : vector<16xi32>
        %jit3A_311 = arith.constant 0 : i32
        %broadcast_in_dim3A_312 = vector.broadcast %jit3A_311 : i32 to vector<16xi32>
        %select_n3A_313 = arith.select %eq3A_310, %get3A_263, %broadcast_in_dim3A_312 : vector<16xi1>, vector<16xi32>
        %reduce_sum3A_314 = arith.constant true
        %reduce_sum3A_315 = vector.broadcast %reduce_sum3A_314 : i1 to vector<16xi1>
        %reduce_sum3A_316 = tpu.scan <sum>, %select_n3A_313 masked %reduce_sum3A_315 : vector<16xi32>, vector<16xi1> -> vector<16xi32>
        %reduce_sum3A_317 = vector.extract %reduce_sum3A_316[15] : i32 from vector<16xi32>
        %add3A_318 = arith.addi %scan3A_255, %reduce_sum3A_307 : i32
        %sub3A_319 = arith.subi %add3A_318, %reduce_sum3A_317 : i32
        %sub3A_320 = arith.constant 246 : i32
        %sub3A_321 = arith.subi %sub3A_320, %sub3A_319 : i32
        %mul3A_322 = arith.constant 16 : i32
        %mul3A_323 = arith.muli %sub3A_259, %mul3A_322 : i32
        %add3A_324 = arith.addi %mul3A_323, %sub3A_297 : i32
        %select_n3A_325 = arith.select %and3A_285, %add3A_324, %scan3A_256 : i32
        %select_n3A_326 = arith.select %and3A_285, %sub3A_321, %scan3A_257 : i32
        %not3A = arith.constant true
        %not3A_327 = arith.xori %and3A_285, %not3A : i1
        %and3A_328 = arith.andi %lt3A_281, %not3A_327 : i1
        %add3A_329 = arith.addi %scan3A_255, %reduce_sum3A_280 : i32
        %select_n3A_330 = arith.select %and3A_328, %add3A_329, %scan3A_255 : i32
        scf.yield %select_n3A_330, %select_n3A_325, %select_n3A_326 : i32, i32, i32
      }
      %scan3A_51 = arith.constant 8 : i32
      %mul3A_52 = arith.constant 16 : i32
      %mul3A_53 = arith.muli %scan3A_50#1, %mul3A_52 : i32
      %get3A = arith.index_cast %mul3A_53 : i32 to index
      %get3A_54 = tpu.vector_load %arg8[%get3A] {strides = array<i32>} : memref<32768xi32, #tpu.memory_space<vmem>>, vector<16xi32>,
      %mul3A_55 = arith.constant 16 : i32
      %mul3A_56 = arith.muli %scan3A_50#1, %mul3A_55 : i32
      %add3A_57 = arith.constant 2048 : i32
      %add3A_58 = arith.addi %add3A_57, %mul3A_56 : i32
      %get3A_59 = arith.index_cast %add3A_58 : i32 to index
      %get3A_60 = tpu.vector_load %arg8[%get3A_59] {strides = array<i32>} : memref<32768xi32, #tpu.memory_space<vmem>>, vector<16xi32>,
      %add3A_61 = arith.addi %get3A_54, %get3A_60 : vector<16xi32>
      %mul3A_62 = arith.constant 16 : i32
      %mul3A_63 = arith.muli %scan3A_50#1, %mul3A_62 : i32
      %add3A_64 = arith.constant 4096 : i32
      %add3A_65 = arith.addi %add3A_64, %mul3A_63 : i32
      %get3A_66 = arith.index_cast %add3A_65 : i32 to index
      %get3A_67 = tpu.vector_load %arg8[%get3A_66] {strides = array<i32>} : memref<32768xi32, #tpu.memory_space<vmem>>, vector<16xi32>,
      %add3A_68 = arith.addi %add3A_61, %get3A_67 : vector<16xi32>
      %mul3A_69 = arith.constant 16 : i32
      %mul3A_70 = arith.muli %scan3A_50#1, %mul3A_69 : i32
      %add3A_71 = arith.constant 6144 : i32
      %add3A_72 = arith.addi %add3A_71, %mul3A_70 : i32
      %get3A_73 = arith.index_cast %add3A_72 : i32 to index
      %get3A_74 = tpu.vector_load %arg8[%get3A_73] {strides = array<i32>} : memref<32768xi32, #tpu.memory_space<vmem>>, vector<16xi32>,
      %add3A_75 = arith.addi %add3A_68, %get3A_74 : vector<16xi32>
      %mul3A_76 = arith.constant 16 : i32
      %mul3A_77 = arith.muli %scan3A_50#1, %mul3A_76 : i32
      %add3A_78 = arith.constant 8192 : i32
      %add3A_79 = arith.addi %add3A_78, %mul3A_77 : i32
      %get3A_80 = arith.index_cast %add3A_79 : i32 to index
      %get3A_81 = tpu.vector_load %arg8[%get3A_80] {strides = array<i32>} : memref<32768xi32, #tpu.memory_space<vmem>>, vector<16xi32>,
      %add3A_82 = arith.addi %add3A_75, %get3A_81 : vector<16xi32>
      %mul3A_83 = arith.constant 16 : i32
      %mul3A_84 = arith.muli %scan3A_50#1, %mul3A_83 : i32
      %add3A_85 = arith.constant 10240 : i32
      %add3A_86 = arith.addi %add3A_85, %mul3A_84 : i32
      %get3A_87 = arith.index_cast %add3A_86 : i32 to index
      %get3A_88 = tpu.vector_load %arg8[%get3A_87] {strides = array<i32>} : memref<32768xi32, #tpu.memory_space<vmem>>, vector<16xi32>,
      %add3A_89 = arith.addi %add3A_82, %get3A_88 : vector<16xi32>
      %mul3A_90 = arith.constant 16 : i32
      %mul3A_91 = arith.muli %scan3A_50#1, %mul3A_90 : i32
      %add3A_92 = arith.constant 12288 : i32
      %add3A_93 = arith.addi %add3A_92, %mul3A_91 : i32
      %get3A_94 = arith.index_cast %add3A_93 : i32 to index
      %get3A_95 = tpu.vector_load %arg8[%get3A_94] {strides = array<i32>} : memref<32768xi32, #tpu.memory_space<vmem>>, vector<16xi32>,
      %add3A_96 = arith.addi %add3A_89, %get3A_95 : vector<16xi32>
      %mul3A_97 = arith.constant 16 : i32
      %mul3A_98 = arith.muli %scan3A_50#1, %mul3A_97 : i32
      %add3A_99 = arith.constant 14336 : i32
      %add3A_100 = arith.addi %add3A_99, %mul3A_98 : i32
      %get3A_101 = arith.index_cast %add3A_100 : i32 to index
      %get3A_102 = tpu.vector_load %arg8[%get3A_101] {strides = array<i32>} : memref<32768xi32, #tpu.memory_space<vmem>>, vector<16xi32>,
      %add3A_103 = arith.addi %add3A_96, %get3A_102 : vector<16xi32>
      %mul3A_104 = arith.constant 16 : i32
      %mul3A_105 = arith.muli %scan3A_50#1, %mul3A_104 : i32
      %add3A_106 = arith.constant 16384 : i32
      %add3A_107 = arith.addi %add3A_106, %mul3A_105 : i32
      %get3A_108 = arith.index_cast %add3A_107 : i32 to index
      %get3A_109 = tpu.vector_load %arg8[%get3A_108] {strides = array<i32>} : memref<32768xi32, #tpu.memory_space<vmem>>, vector<16xi32>,
      %add3A_110 = arith.addi %add3A_103, %get3A_109 : vector<16xi32>
      %mul3A_111 = arith.constant 16 : i32
      %mul3A_112 = arith.muli %scan3A_50#1, %mul3A_111 : i32
      %add3A_113 = arith.constant 18432 : i32
      %add3A_114 = arith.addi %add3A_113, %mul3A_112 : i32
      %get3A_115 = arith.index_cast %add3A_114 : i32 to index
      %get3A_116 = tpu.vector_load %arg8[%get3A_115] {strides = array<i32>} : memref<32768xi32, #tpu.memory_space<vmem>>, vector<16xi32>,
      %add3A_117 = arith.addi %add3A_110, %get3A_116 : vector<16xi32>
      %mul3A_118 = arith.constant 16 : i32
      %mul3A_119 = arith.muli %scan3A_50#1, %mul3A_118 : i32
      %add3A_120 = arith.constant 20480 : i32
      %add3A_121 = arith.addi %add3A_120, %mul3A_119 : i32
      %get3A_122 = arith.index_cast %add3A_121 : i32 to index
      %get3A_123 = tpu.vector_load %arg8[%get3A_122] {strides = array<i32>} : memref<32768xi32, #tpu.memory_space<vmem>>, vector<16xi32>,
      %add3A_124 = arith.addi %add3A_117, %get3A_123 : vector<16xi32>
      %mul3A_125 = arith.constant 16 : i32
      %mul3A_126 = arith.muli %scan3A_50#1, %mul3A_125 : i32
      %add3A_127 = arith.constant 22528 : i32
      %add3A_128 = arith.addi %add3A_127, %mul3A_126 : i32
      %get3A_129 = arith.index_cast %add3A_128 : i32 to index
      %get3A_130 = tpu.vector_load %arg8[%get3A_129] {strides = array<i32>} : memref<32768xi32, #tpu.memory_space<vmem>>, vector<16xi32>,
      %add3A_131 = arith.addi %add3A_124, %get3A_130 : vector<16xi32>
      %mul3A_132 = arith.constant 16 : i32
      %mul3A_133 = arith.muli %scan3A_50#1, %mul3A_132 : i32
      %add3A_134 = arith.constant 24576 : i32
      %add3A_135 = arith.addi %add3A_134, %mul3A_133 : i32
      %get3A_136 = arith.index_cast %add3A_135 : i32 to index
      %get3A_137 = tpu.vector_load %arg8[%get3A_136] {strides = array<i32>} : memref<32768xi32, #tpu.memory_space<vmem>>, vector<16xi32>,
      %add3A_138 = arith.addi %add3A_131, %get3A_137 : vector<16xi32>
      %mul3A_139 = arith.constant 16 : i32
      %mul3A_140 = arith.muli %scan3A_50#1, %mul3A_139 : i32
      %add3A_141 = arith.constant 26624 : i32
      %add3A_142 = arith.addi %add3A_141, %mul3A_140 : i32
      %get3A_143 = arith.index_cast %add3A_142 : i32 to index
      %get3A_144 = tpu.vector_load %arg8[%get3A_143] {strides = array<i32>} : memref<32768xi32, #tpu.memory_space<vmem>>, vector<16xi32>,
      %add3A_145 = arith.addi %add3A_138, %get3A_144 : vector<16xi32>
      %mul3A_146 = arith.constant 16 : i32
      %mul3A_147 = arith.muli %scan3A_50#1, %mul3A_146 : i32
      %add3A_148 = arith.constant 28672 : i32
      %add3A_149 = arith.addi %add3A_148, %mul3A_147 : i32
      %get3A_150 = arith.index_cast %add3A_149 : i32 to index
      %get3A_151 = tpu.vector_load %arg8[%get3A_150] {strides = array<i32>} : memref<32768xi32, #tpu.memory_space<vmem>>, vector<16xi32>,
      %add3A_152 = arith.addi %add3A_145, %get3A_151 : vector<16xi32>
      %mul3A_153 = arith.constant 16 : i32
      %mul3A_154 = arith.muli %scan3A_50#1, %mul3A_153 : i32
      %add3A_155 = arith.constant 30720 : i32
      %add3A_156 = arith.addi %add3A_155, %mul3A_154 : i32
      %get3A_157 = arith.index_cast %add3A_156 : i32 to index
      %get3A_158 = tpu.vector_load %arg8[%get3A_157] {strides = array<i32>} : memref<32768xi32, #tpu.memory_space<vmem>>, vector<16xi32>,
      %add3A_159 = arith.addi %add3A_152, %get3A_158 : vector<16xi32>
      %rev3A = arith.constant 15 : i32
      %rev3A_160 = vector.broadcast %rev3A : i32 to vector<16xi32>
      %rev3A_161 = tpu.iota {dimensions = array<i32: 0>} : vector<16xi32>
      %rev3A_162 = arith.subi %rev3A_160, %rev3A_161 : vector<16xi32>
      %rev3A_163 = tpu.dynamic_gather %add3A_159[%rev3A_162] in [0] : vector<16xi32>, vector<16xi32> -> vector<16xi32>
      %cumsum3A = arith.constant true
      %cumsum3A_164 = vector.broadcast %cumsum3A : i1 to vector<16xi1>
      %cumsum3A_165 = tpu.scan <sum>, %rev3A_163 masked %cumsum3A_164 : vector<16xi32>, vector<16xi1> -> vector<16xi32>
      %rev3A_166 = arith.constant 15 : i32
      %rev3A_167 = vector.broadcast %rev3A_166 : i32 to vector<16xi32>
      %rev3A_168 = tpu.iota {dimensions = array<i32: 0>} : vector<16xi32>
      %rev3A_169 = arith.subi %rev3A_167, %rev3A_168 : vector<16xi32>
      %rev3A_170 = tpu.dynamic_gather %cumsum3A_165[%rev3A_169] in [0] : vector<16xi32>, vector<16xi32> -> vector<16xi32>
      %ge3A = vector.broadcast %scan3A_50#2 : i32 to vector<16xi32>
      %ge3A_171 = arith.cmpi sge, %rev3A_170, %ge3A : vector<16xi32>
      %convert_element_type3A = arith.extui %ge3A_171 : vector<16xi1> to vector<16xi32>
      %reduce_sum3A = arith.constant true
      %reduce_sum3A_172 = vector.broadcast %reduce_sum3A : i1 to vector<16xi1>
      %reduce_sum3A_173 = tpu.scan <sum>, %convert_element_type3A masked %reduce_sum3A_172 : vector<16xi32>, vector<16xi1> -> vector<16xi32>
      %reduce_sum3A_174 = vector.extract %reduce_sum3A_173[15] : i32 from vector<16xi32>
      %sub3A = arith.constant 1 : i32
      %sub3A_175 = arith.subi %reduce_sum3A_174, %sub3A : i32
      %iota3A_176 = tpu.iota {dimensions = array<i32: 0>} : vector<16xi32>
      %eq3A = vector.broadcast %sub3A_175 : i32 to vector<16xi32>
      %eq3A_177 = arith.cmpi eq, %iota3A_176, %eq3A : vector<16xi32>
      %jit3A = arith.constant 0 : i32
      %broadcast_in_dim3A_178 = vector.broadcast %jit3A : i32 to vector<16xi32>
      %select_n3A = arith.select %eq3A_177, %rev3A_170, %broadcast_in_dim3A_178 : vector<16xi1>, vector<16xi32>
      %reduce_sum3A_179 = arith.constant true
      %reduce_sum3A_180 = vector.broadcast %reduce_sum3A_179 : i1 to vector<16xi1>
      %reduce_sum3A_181 = tpu.scan <sum>, %select_n3A masked %reduce_sum3A_180 : vector<16xi32>, vector<16xi1> -> vector<16xi32>
      %reduce_sum3A_182 = vector.extract %reduce_sum3A_181[15] : i32 from vector<16xi32>
      %iota3A_183 = tpu.iota {dimensions = array<i32: 0>} : vector<16xi32>
      %eq3A_184 = vector.broadcast %sub3A_175 : i32 to vector<16xi32>
      %eq3A_185 = arith.cmpi eq, %iota3A_183, %eq3A_184 : vector<16xi32>
      %jit3A_186 = arith.constant 0 : i32
      %broadcast_in_dim3A_187 = vector.broadcast %jit3A_186 : i32 to vector<16xi32>
      %select_n3A_188 = arith.select %eq3A_185, %add3A_159, %broadcast_in_dim3A_187 : vector<16xi1>, vector<16xi32>
      %reduce_sum3A_189 = arith.constant true
      %reduce_sum3A_190 = vector.broadcast %reduce_sum3A_189 : i1 to vector<16xi1>
      %reduce_sum3A_191 = tpu.scan <sum>, %select_n3A_188 masked %reduce_sum3A_190 : vector<16xi32>, vector<16xi1> -> vector<16xi32>
      %reduce_sum3A_192 = vector.extract %reduce_sum3A_191[15] : i32 from vector<16xi32>
      %mul3A_193 = arith.constant 16 : i32
      %mul3A_194 = arith.muli %scan3A_50#1, %mul3A_193 : i32
      %add3A_195 = arith.addi %mul3A_194, %sub3A_175 : i32
      %sub3A_196 = arith.subi %reduce_sum3A_182, %reduce_sum3A_192 : i32
      %sub3A_197 = arith.subi %scan3A_50#2, %sub3A_196 : i32
      %scan3A_198 = arith.constant 0 : i32
      %scan3A_199 = arith.constant 0 : i32
      %scan3A_200 = arith.constant 512 : i32
      %scan3A_201 = arith.addi %scan3A_199, %scan3A_200 : i32
      %scan3A_202 = arith.constant 1 : i32
      %scan3A_203 = scf.for %scan3A_254 = %scan3A_199 to %scan3A_201 step %scan3A_202 iter_args(%scan3A_255 = %scan3A_198) -> (i32)  : i32 {
        %mul3A_256 = arith.constant 16 : i32
        %mul3A_257 = arith.muli %scan3A_254, %mul3A_256 : i32
        %get3A_258 = arith.index_cast %mul3A_257 : i32 to index
        %get3A_259 = tpu.vector_load %arg5[%get3A_258] {strides = array<i32>} : memref<8192xi32, #tpu.memory_space<vmem>>, vector<16xi32>,
        %shift_right_arithmetic3A = arith.constant 21 : i32
        %shift_right_arithmetic3A_260 = vector.broadcast %shift_right_arithmetic3A : i32 to vector<16xi32>
        %shift_right_arithmetic3A_261 = arith.shrsi %get3A_259, %shift_right_arithmetic3A_260 : vector<16xi32>
        %add3A_262 = arith.constant 1024 : i32
        %add3A_263 = vector.broadcast %add3A_262 : i32 to vector<16xi32>
        %add3A_264 = arith.addi %shift_right_arithmetic3A_261, %add3A_263 : vector<16xi32>
        %add3A_265 = arith.addi %mul3A_6, %add3A_264 : vector<16xi32>
        tpu.vector_store_idx %arg8[%add3A_265], %broadcast_in_dim3A_3 : memref<32768xi32, #tpu.memory_space<vmem>>[vector<16xi32>], vector<16xi32>,
        %shift_right_arithmetic3A_266 = arith.constant 4 : i32
        %shift_right_arithmetic3A_267 = vector.broadcast %shift_right_arithmetic3A_266 : i32 to vector<16xi32>
        %shift_right_arithmetic3A_268 = arith.shrsi %add3A_264, %shift_right_arithmetic3A_267 : vector<16xi32>
        %add3A_269 = arith.addi %mul3A_9, %shift_right_arithmetic3A_268 : vector<16xi32>
        tpu.vector_store_idx %arg9[%add3A_269], %broadcast_in_dim3A_3 : memref<2048xi32, #tpu.memory_space<vmem>>[vector<16xi32>], vector<16xi32>,
        %eq3A_270 = vector.broadcast %add3A_195 : i32 to vector<16xi32>
        %eq3A_271 = arith.cmpi eq, %add3A_264, %eq3A_270 : vector<16xi32>
        %swap3A_272 = arith.index_cast %scan3A_255 : i32 to index
        %swap3A_273 = tpu.vector_load %arg7[%swap3A_272] masked %eq3A_271 {strides = array<i32>} : memref<8208xi32, #tpu.memory_space<vmem>>, vector<16xi32>, vector<16xi1>
        tpu.vector_store %arg7[%swap3A_272], %get3A_259 masked %eq3A_271 {strides = array<i32>} : memref<8208xi32, #tpu.memory_space<vmem>>, vector<16xi32>, vector<16xi1>
        %convert_element_type3A_274 = arith.extui %eq3A_271 : vector<16xi1> to vector<16xi32>
        %reduce_sum3A_275 = arith.constant true
        %reduce_sum3A_276 = vector.broadcast %reduce_sum3A_275 : i1 to vector<16xi1>
        %reduce_sum3A_277 = tpu.scan <sum>, %convert_element_type3A_274 masked %reduce_sum3A_276 : vector<16xi32>, vector<16xi1> -> vector<16xi32>
        %reduce_sum3A_278 = vector.extract %reduce_sum3A_277[15] : i32 from vector<16xi32>
        %add3A_279 = arith.addi %scan3A_255, %reduce_sum3A_278 : i32
        scf.yield %add3A_279 : i32
      }
      %scan3A_204 = arith.constant 512 : i32
      %broadcast_in_dim3A_205 = arith.constant -2147483648 : i32
      %broadcast_in_dim3A_206 = vector.broadcast %broadcast_in_dim3A_205 : i32 to vector<16xi32>
      %swap3A = arith.index_cast %scan3A_203 : i32 to index
      %swap3A_207 = tpu.vector_load %arg7[%swap3A] {strides = array<i32>} : memref<8208xi32, #tpu.memory_space<vmem>>, vector<16xi32>,
      tpu.vector_store %arg7[%swap3A], %broadcast_in_dim3A_206 {strides = array<i32>} : memref<8208xi32, #tpu.memory_space<vmem>>, vector<16xi32>,
      %add3A_208 = arith.constant 16 : i32
      %add3A_209 = arith.addi %scan3A_203, %add3A_208 : i32
      %sub3A_210 = arith.constant 1 : i32
      %sub3A_211 = arith.subi %add3A_209, %sub3A_210 : i32
      %jit3A_212 = arith.constant 16 : i32
      %div3A = arith.divsi %sub3A_211, %jit3A_212 : i32
      %sign3A = arith.constant 0 : i32
      %sign3A_213 = arith.cmpi sgt, %sub3A_211, %sign3A : i32
      %sign3A_214 = arith.extui %sign3A_213 : i1 to i32
      %sign3A_215 = arith.constant 0 : i32
      %sign3A_216 = arith.cmpi slt, %sub3A_211, %sign3A_215 : i32
      %sign3A_217 = arith.extui %sign3A_216 : i1 to i32
      %sign3A_218 = arith.subi %sign3A_214, %sign3A_217 : i32
      %sign3A_219 = arith.constant 0 : i32
      %sign3A_220 = arith.cmpi sgt, %jit3A_212, %sign3A_219 : i32
      %sign3A_221 = arith.extui %sign3A_220 : i1 to i32
      %sign3A_222 = arith.constant 0 : i32
      %sign3A_223 = arith.cmpi slt, %jit3A_212, %sign3A_222 : i32
      %sign3A_224 = arith.extui %sign3A_223 : i1 to i32
      %sign3A_225 = arith.subi %sign3A_221, %sign3A_224 : i32
      %ne3A = arith.cmpi ne, %sign3A_218, %sign3A_225 : i32
      %rem3A = arith.remsi %sub3A_211, %jit3A_212 : i32
      %ne3A_226 = arith.constant 0 : i32
      %ne3A_227 = arith.cmpi ne, %rem3A, %ne3A_226 : i32
      %and3A = arith.andi %ne3A, %ne3A_227 : i1
      %sub3A_228 = arith.constant 1 : i32
      %sub3A_229 = arith.subi %div3A, %sub3A_228 : i32
      %select_n3A_230 = arith.select %and3A, %sub3A_229, %div3A : i32
      %sub3A_231 = arith.constant 1024 : i32
      %sub3A_232 = arith.subi %add3A_195, %sub3A_231 : i32
      %shift_left3A = arith.constant 21 : i32
      %shift_left3A_233 = arith.shli %sub3A_232, %shift_left3A : i32
      %add3A_234 = arith.constant 2097152 : i32
      %add3A_235 = arith.addi %shift_left3A_233, %add3A_234 : i32
      %sub3A_236 = arith.constant 1 : i32
      %sub3A_237 = arith.subi %add3A_235, %sub3A_236 : i32
      %scan3A_238 = arith.constant 0 : i32
      %scan3A_239 = arith.constant 21 : i32
      %scan3A_240 = arith.addi %scan3A_238, %scan3A_239 : i32
      %scan3A_241 = arith.constant 1 : i32
      %scan3A_242:2 = scf.for %scan3A_254 = %scan3A_238 to %scan3A_240 step %scan3A_241 iter_args(%scan3A_255 = %shift_left3A_233, %scan3A_256 = %sub3A_237) -> (i32, i32)  : i32 {
        %and3A_257 = arith.andi %scan3A_255, %scan3A_256 : i32
        %xor3A = arith.xori %scan3A_255, %scan3A_256 : i32
        %shift_right_arithmetic3A = arith.constant 1 : i32
        %shift_right_arithmetic3A_258 = arith.shrsi %xor3A, %shift_right_arithmetic3A : i32
        %add3A_259 = arith.addi %and3A_257, %shift_right_arithmetic3A_258 : i32
        %xor3A_260 = arith.xori %scan3A_255, %scan3A_256 : i32
        %and3A_261 = arith.constant 1 : i32
        %and3A_262 = arith.andi %xor3A_260, %and3A_261 : i32
        %add3A_263 = arith.addi %add3A_259, %and3A_262 : i32
        %while3A = arith.constant 0 : i32
        %while3A_264 = arith.constant 0 : i32
        %while3A_265 = arith.subi %select_n3A_230, %while3A : i32
        %while3A_266 = arith.addi %while3A, %while3A_265 : i32
        %while3A_267 = arith.constant 1 : i32
        %while3A_268 = arith.divsi %while3A_265, %while3A_267 : i32
        %while3A_269 = arith.muli %while3A_268, %while3A_267 : i32
        %while3A_270 = arith.addi %while3A, %while3A_269 : i32
        %while3A_271 = arith.constant 1 : i32
        %while3A_272 = scf.for %while3A_280 = %while3A to %while3A_270 step %while3A_271 iter_args(%while3A_281 = %while3A_264) -> (i32)  : i32 {
          %mul3A_282 = arith.constant 16 : i32
          %mul3A_283 = arith.muli %while3A_280, %mul3A_282 : i32
          %get3A_284 = arith.index_cast %mul3A_283 : i32 to index
          %get3A_285 = tpu.vector_load %arg7[%get3A_284] {strides = array<i32>} : memref<8208xi32, #tpu.memory_space<vmem>>, vector<16xi32>,
          %ge3A_286 = vector.broadcast %add3A_263 : i32 to vector<16xi32>
          %ge3A_287 = arith.cmpi sge, %get3A_285, %ge3A_286 : vector<16xi32>
          %convert_element_type3A_288 = arith.extui %ge3A_287 : vector<16xi1> to vector<16xi32>
          %reduce_sum3A_289 = arith.constant true
          %reduce_sum3A_290 = vector.broadcast %reduce_sum3A_289 : i1 to vector<16xi1>
          %reduce_sum3A_291 = tpu.scan <sum>, %convert_element_type3A_288 masked %reduce_sum3A_290 : vector<16xi32>, vector<16xi1> -> vector<16xi32>
          %reduce_sum3A_292 = vector.extract %reduce_sum3A_291[15] : i32 from vector<16xi32>
          %add3A_293 = arith.addi %while3A_281, %reduce_sum3A_292 : i32
          scf.yield %add3A_293 : i32
        }
        %while3A_273 = arith.constant 1 : i32
        %while3A_274 = scf.for %while3A_280 = %while3A_270 to %while3A_266 step %while3A_273 iter_args(%while3A_281 = %while3A_272) -> (i32)  : i32 {
          %mul3A_282 = arith.constant 16 : i32
          %mul3A_283 = arith.muli %while3A_280, %mul3A_282 : i32
          %get3A_284 = arith.index_cast %mul3A_283 : i32 to index
          %get3A_285 = tpu.vector_load %arg7[%get3A_284] {strides = array<i32>} : memref<8208xi32, #tpu.memory_space<vmem>>, vector<16xi32>,
          %ge3A_286 = vector.broadcast %add3A_263 : i32 to vector<16xi32>
          %ge3A_287 = arith.cmpi sge, %get3A_285, %ge3A_286 : vector<16xi32>
          %convert_element_type3A_288 = arith.extui %ge3A_287 : vector<16xi1> to vector<16xi32>
          %reduce_sum3A_289 = arith.constant true
          %reduce_sum3A_290 = vector.broadcast %reduce_sum3A_289 : i1 to vector<16xi1>
          %reduce_sum3A_291 = tpu.scan <sum>, %convert_element_type3A_288 masked %reduce_sum3A_290 : vector<16xi32>, vector<16xi1> -> vector<16xi32>
          %reduce_sum3A_292 = vector.extract %reduce_sum3A_291[15] : i32 from vector<16xi32>
          %add3A_293 = arith.addi %while3A_281, %reduce_sum3A_292 : i32
          scf.yield %add3A_293 : i32
        }
        %ge3A_275 = arith.cmpi sge, %while3A_274, %sub3A_197 : i32
        %select_n3A_276 = arith.select %ge3A_275, %add3A_263, %scan3A_255 : i32
        %sub3A_277 = arith.constant 1 : i32
        %sub3A_278 = arith.subi %add3A_263, %sub3A_277 : i32
        %select_n3A_279 = arith.select %ge3A_275, %scan3A_256, %sub3A_278 : i32
        scf.yield %select_n3A_276, %select_n3A_279 : i32, i32
      }
      %scan3A_243 = arith.constant 21 : i32
      %broadcast_in_dim3A_244 = arith.constant 1.000000e+00 : f32
      %broadcast_in_dim3A_245 = vector.broadcast %broadcast_in_dim3A_244 : f32 to vector<16xf32>
      %broadcast_in_dim3A_246 = arith.constant 0.000000e+00 : f32
      %broadcast_in_dim3A_247 = vector.broadcast %broadcast_in_dim3A_246 : f32 to vector<16xf32>
      %scan3A_248 = arith.constant 0 : i32
      %scan3A_249 = arith.constant 0 : i32
      %scan3A_250 = arith.constant 512 : i32
      %scan3A_251 = arith.addi %scan3A_249, %scan3A_250 : i32
      %scan3A_252 = arith.constant 1 : i32
      scf.for %scan3A_254 = %scan3A_249 to %scan3A_251 step %scan3A_252  : i32 {
        %mul3A_255 = arith.constant 16 : i32
        %mul3A_256 = arith.muli %scan3A_254, %mul3A_255 : i32
        %get3A_257 = arith.index_cast %mul3A_256 : i32 to index
        %get3A_258 = tpu.vector_load %arg5[%get3A_257] {strides = array<i32>} : memref<8192xi32, #tpu.memory_space<vmem>>, vector<16xi32>,
        %ge3A_259 = vector.broadcast %scan3A_242#0 : i32 to vector<16xi32>
        %ge3A_260 = arith.cmpi sge, %get3A_258, %ge3A_259 : vector<16xi32>
        %select_n3A_261 = arith.select %ge3A_260, %broadcast_in_dim3A_245, %broadcast_in_dim3A_247 : vector<16xi1>, vector<16xf32>
        %mul3A_262 = arith.constant 16 : i32
        %mul3A_263 = arith.muli %scan3A_254, %mul3A_262 : i32
        %swap3A_264 = arith.index_cast %mul3A_263 : i32 to index
        %swap3A_265 = tpu.vector_load %arg6[%swap3A_264] {strides = array<i32>} : memref<8192xf32, #tpu.memory_space<vmem>>, vector<16xf32>,
        tpu.vector_store %arg6[%swap3A_264], %select_n3A_261 {strides = array<i32>} : memref<8192xf32, #tpu.memory_space<vmem>>, vector<16xf32>,
      }
      %scan3A_253 = arith.constant 512 : i32
      "tpu.region"() ({
        %run_scoped3A = tpu.sem_alloc : memref<!tpu.dma_semaphore, #tpu.memory_space<semaphore_mem>>
        %dma_start3A = arith.constant 0 : i32
        %dma_start3A_254 = tpu.memref_slice %arg3[%add3A_30, %dma_start3A] : memref<128x8192xf32, #tpu.memory_space<hbm>> -> memref<1x8192xf32, #tpu.memory_space<hbm>>
        %dma_start3A_255 = tpu.memref_squeeze %dma_start3A_254 : memref<1x8192xf32, #tpu.memory_space<hbm>> -> memref<8192xf32, #tpu.memory_space<hbm>>
        %dma_start3A_256 = arith.constant 0 : i32
        %dma_start3A_257 = tpu.memref_slice %arg3[%add3A_30, %dma_start3A_256] : memref<128x8192xf32, #tpu.memory_space<hbm>> -> memref<1x8192xf32, #tpu.memory_space<hbm>>
        %dma_start3A_258 = tpu.memref_squeeze %dma_start3A_257 : memref<1x8192xf32, #tpu.memory_space<hbm>> -> memref<8192xf32, #tpu.memory_space<hbm>>
        tpu.enqueue_dma source(%arg6 : memref<8192xf32, #tpu.memory_space<vmem>>) target(%dma_start3A_258 : memref<8192xf32, #tpu.memory_space<hbm>>) target_semaphore(%run_scoped3A : memref<!tpu.dma_semaphore, #tpu.memory_space<semaphore_mem>>)
        %dma_wait3A = arith.constant 0 : i32
        %dma_wait3A_259 = tpu.memref_slice %arg3[%add3A_30, %dma_wait3A] : memref<128x8192xf32, #tpu.memory_space<hbm>> -> memref<1x8192xf32, #tpu.memory_space<hbm>>
        %dma_wait3A_260 = tpu.memref_squeeze %dma_wait3A_259 : memref<1x8192xf32, #tpu.memory_space<hbm>> -> memref<8192xf32, #tpu.memory_space<hbm>>
        %dma_wait3A_261 = arith.constant 0 : i32
        %dma_wait3A_262 = tpu.memref_slice %arg3[%add3A_30, %dma_wait3A_261] : memref<128x8192xf32, #tpu.memory_space<hbm>> -> memref<1x8192xf32, #tpu.memory_space<hbm>>
        %dma_wait3A_263 = tpu.memref_squeeze %dma_wait3A_262 : memref<1x8192xf32, #tpu.memory_space<hbm>> -> memref<8192xf32, #tpu.memory_space<hbm>>
        tpu.wait_dma2 semaphore(%run_scoped3A : memref<!tpu.dma_semaphore, #tpu.memory_space<semaphore_mem>>) src(%arg6 : memref<8192xf32, #tpu.memory_space<vmem>>) dst(%dma_wait3A_263 : memref<8192xf32, #tpu.memory_space<hbm>>)
        tpu.yield
      }) : () -> ()
    }
    %scan3A_26 = arith.constant 4 : i32
    return
  }
}

module attributes {stable_mosaic.version = 14 : i64} {
  func.func @_mm_body(%arg0: i32, %arg1: memref<128x256xf32, #tpu.memory_space<vmem>>, %arg2: memref<256x8192xf32, #tpu.memory_space<vmem>>, %arg3: memref<128x8192xf32, #tpu.memory_space<vmem>>) attributes {dimension_semantics = [#tpu.dimension_semantics<arbitrary>], iteration_bounds = array<i64: 8>, scalar_prefetch = 0 : i64, scratch_operands = 0 : i64, tpu.core_type = #tpu.core_type<tc>, window_params = [{transform_indices = @transform_0, window_bounds = array<i64: 128, 256>}, {transform_indices = @transform_1, window_bounds = array<i64: 256, 8192>}, {pipeline_mode = #tpu.pipeline_mode<synchronous>, transform_indices = @transform_2, window_bounds = array<i64: 128, 8192>}]} {
    %eq3A = arith.constant 0 : i32
    %eq3A_0 = arith.cmpi eq, %arg0, %eq3A : i32
    %convert_element_type3A = arith.extui %eq3A_0 : i1 to i32
    %cond3A = arith.constant 0 : i32
    %cond3A_1 = arith.cmpi ne, %convert_element_type3A, %cond3A : i32
    scf.if %cond3A_1 {
      %broadcast_in_dim3A = arith.constant 0.000000e+00 : f32
      %broadcast_in_dim3A_13 = vector.broadcast %broadcast_in_dim3A : f32 to vector<128x8192xf32>
      %swap3A_14 = arith.constant 0 : index
      %swap3A_15 = arith.constant 0 : index
      %swap3A_16 = vector.load %arg3[%swap3A_14, %swap3A_15] : memref<128x8192xf32, #tpu.memory_space<vmem>>, vector<128x8192xf32>
      tpu.vector_store %arg3[%swap3A_14, %swap3A_15], %broadcast_in_dim3A_13 {strides = array<i32>} : memref<128x8192xf32, #tpu.memory_space<vmem>>, vector<128x8192xf32>,
    } else {
    }
    %get3A = arith.constant 0 : index
    %get3A_2 = arith.constant 0 : index
    %get3A_3 = vector.load %arg3[%get3A, %get3A_2] : memref<128x8192xf32, #tpu.memory_space<vmem>>, vector<128x8192xf32>
    %get3A_4 = arith.constant 0 : index
    %get3A_5 = arith.constant 0 : index
    %get3A_6 = vector.load %arg1[%get3A_4, %get3A_5] : memref<128x256xf32, #tpu.memory_space<vmem>>, vector<128x256xf32>
    %get3A_7 = arith.constant 0 : index
    %get3A_8 = arith.constant 0 : index
    %get3A_9 = vector.load %arg2[%get3A_7, %get3A_8] : memref<256x8192xf32, #tpu.memory_space<vmem>>, vector<256x8192xf32>
    %dot_general3A = arith.constant dense<0.000000e+00> : vector<128x8192xf32>
    %dot_general3A_10 = tpu.matmul %get3A_6, %get3A_9, %dot_general3A {dimension_numbers = #tpu.dot_dimension_numbers<[1], [0], [0], [1], [0, 0, 1, 1], [], []>, transpose_lhs_hint = false} : vector<128x256xf32>, vector<256x8192xf32>, vector<128x8192xf32> -> vector<128x8192xf32>
    %add3A = arith.addf %get3A_3, %dot_general3A_10 : vector<128x8192xf32>
    %swap3A = arith.constant 0 : index
    %swap3A_11 = arith.constant 0 : index
    %swap3A_12 = vector.load %arg3[%swap3A, %swap3A_11] : memref<128x8192xf32, #tpu.memory_space<vmem>>, vector<128x8192xf32>
    tpu.vector_store %arg3[%swap3A, %swap3A_11], %add3A {strides = array<i32>} : memref<128x8192xf32, #tpu.memory_space<vmem>>, vector<128x8192xf32>,
    return
  }
  func.func @transform_0(%arg0: i32) -> (i32, i32) {
    %c0_i32 = arith.constant 0 : i32
    %c0_i32_0 = arith.constant 0 : i32
    return %c0_i32, %arg0 : i32, i32
  }
  func.func @transform_1(%arg0: i32) -> (i32, i32) {
    %c0_i32 = arith.constant 0 : i32
    %c0_i32_0 = arith.constant 0 : i32
    return %arg0, %c0_i32 : i32, i32
  }
  func.func @transform_2(%arg0: i32) -> (i32, i32) {
    %c0_i32 = arith.constant 0 : i32
    %c0_i32_0 = arith.constant 0 : i32
    %c0_i32_1 = arith.constant 0 : i32
    return %c0_i32, %c0_i32_0 : i32, i32
  }
}

</mosaic_0001>

<sc_bundles>
// kernel: kernel.4.cloned.1.call-start
scs
__scs_entry_jumppad:
0x0: {  	(pc) =	sbr.rel $0x88, $3  }
0x1: {  	(tag) =	ssettag $0x0;
	lr =	simm.s32 $0x1  }
0x2: {  	[smem:$0x3F9F] =	sst lr;
	_ =	strace $0xD0000000  }
0x3: {  	_ = 	snop  }
0x4: {  	_ = 	snop  }
0x5: {  	_ = 	snop  }
0x6: {  	_ = 	snop  }
0x7: {  	_ = 	snop  }
__scs_overlays_trampoline_lowered:
0x8: {  	[smem:$0x3FAE] =	sst s0  }
0x9: {  	[smem:$0x3FAF] =	sst s1  }
0xa: {  	[smem:$0x3FB0] =	sst s2  }
0xb: {  	[smem:$0x3FB1] =	sst s3  }
0xc: {  	[smem:$0x3FB2] =	sst s4  }
0xd: {  	[smem:$0x3FB3] =	sst s5  }
0xe: {  	[smem:$0x3FB4] =	sst s6  }
0xf: {  	[smem:$0x3FB5] =	sst s7  }
0x10: {  	[smem:$0x3FB6] =	sst s8  }
0x11: {  	[smem:$0x3FB7] =	sst s9;
	s0 =	simm.s32 @!p0 $0x0  }
0x12: {  	s1 =	sld [smem:$0x3F9D];
	s0 =	simm.s32 @p0 $0x1  }
0x13: {  	[smem:$0x3FB8] =	sst s0;
	s0 =	simm.s32 @!p1 $0x0  }
0x14: {  	s2 =	sld [smem:$0x3F9C];
	s0 =	simm.s32 @p1 $0x1  }
0x15: {  	[smem:$0x3FB9] =	sst s0;
	s0 =	simm.s32 @!p2 $0x0  }
0x16: {  	s3 =	sld [smem:$0x3FDB];
	s0 =	simm.s32 @p2 $0x1  }
0x17: {  	s4 =	simm.s32 $0x1BF5;
	[smem:$0x3FBB] =	sst s0  }
0x18: {  	s0 =	sld [smem:$0x3F9E];
	_ =	swait.ge [sflag:s4], $0x0  }
0x19: {  	s7 =	sld [smem:$0x3F9F]  }
0x1a: {  	s8 =	sadd.s32 $0xFFFFE003, lr  }
0x1b: {  	s9 =	sadd.s32 $0xFFFFFEF7, lr;
	s5 =	simm.s32 $0xFFFFFFFF;
	p2 =	slt.u32 s8, $0xFFFFF086  }
0x1c: {  	p1 =	slt.u32 s9, $0xF7A;
	s5 =	simm.s32 @!p2 $0x0  }
0x1d: {  	s5 =	simm.s32 @p1 $0x1;
	p0 =	seq.s32 s7, s2  }
0x1e: {  	s7 =	smul.u32 @!p0 $0xF7A, s2;
	p2 =	seq.s32 @!p0 s5, $0x0  }
0x1f: {  	s9 =	smul.u32 $0xF7A, s1;
	s8 =	simm.s32 @!p0 $0x1BF5;
	p2 =	por !p2, p0  }
0x20: {  	[sflag:s8] =	ssyncset.s32 @!p0 $0xFFFFF086;
	s6 =	sadd.s32 @!p0 s3, s7;
	s7 =	simm.s32 @!p0 $0x108  }
0x21: {  	s3 =	sadd.s32 s3, s9;
	s6 =	sadd.s32 @!p0 $0x88, s6;
	s7 =	simm.s32 @p2 $0x1082  }
0x22: {  	[simem:s7], [sflag:s8] =	dma.local @!p0 [hbm:s6], $0xF7A  }
0x23: {  	s9 =	sor.u32 $0xD0000000, s2;
	s6 =	simm.s32 $0x108;
	_ =	swait.ge @!p0 [sflag:s8], $0x0  }
0x24: {  	s3 =	sadd.s32 $0x88, s3;
	s6 =	simm.s32 @!p1 $0x1082;
	[sflag:s4] =	ssyncset.s32 $0xFFFFF086  }
0x25: {  	[simem:s6], [sflag:s4] =	dma.local [hbm:s3], $0xF7A  }
0x26: {  	[smem:$0x3F9F] =	sst s1;
	(tag) =	ssettag s2;
	_ =	strace s9  }
0x27: {  	s1 =	sld [smem:$0x3FAF]  }
0x28: {  	s2 =	sld [smem:$0x3FB0]  }
0x29: {  	s4 =	sld [smem:$0x3FB2]  }
0x2a: {  	p0 =	seq.s32 s5, $0x0;
	s5 =	sld [smem:$0x3FB3]  }
0x2b: {  	s6 =	sld [smem:$0x3FB4]  }
0x2c: {  	s7 =	sld [smem:$0x3FB5]  }
0x2d: {  	s3 =	simm.s32 $0x108;
	s8 =	sld [smem:$0x3FB6]  }
0x2e: {  	s3 =	simm.s32 @!p0 $0x1082;
	s9 =	sld [smem:$0x3FB7]  }
0x2f: {  	lr =	sadd.s32 s0, s3;
	s0 =	sld [smem:$0x3FAE]  }
0x30: {  	s3 =	sld [smem:$0x3FB1]  }
0x31: {  	[smem:$0x3FBA] =	sst s10  }
0x32: {  	s10 =	sld [smem:$0x3FB8];
	_ =	sdelay $0x3  }
0x33: {  	p0 =	seq.s32 s10, $0x1;
	s10 =	sld [smem:$0x3FBA];
	_ =	sdelay $0x3  }
0x34: {  	[smem:$0x3FBA] =	sst s10  }
0x35: {  	s10 =	sld [smem:$0x3FB9];
	_ =	sdelay $0x3  }
0x36: {  	p1 =	seq.s32 s10, $0x1;
	s10 =	sld [smem:$0x3FBA];
	_ =	sdelay $0x3  }
0x37: {  	[smem:$0x3FBA] =	sst s10  }
0x38: {  	s10 =	sld [smem:$0x3FBB]  }
0x39: {  	_ = 	snop;
	(pc) =	sbr.ind lr, $3  }
0x3a: {  	_ = 	snop  }
0x3b: {  	_ = 	snop  }
0x3c: {  	p2 =	seq.s32 s10, $0x1;
	s10 =	sld [smem:$0x3FBA]  }
0x3d: {  	_ =	shalt  }
0x3e: {  	_ =	shalt  }
0x3f: {  	_ =	shalt  }
0x40: {  	_ =	shalt  }
0x41: {  	_ =	shalt  }
0x42: {  	_ =	shalt  }
0x43: {  	_ =	shalt  }
0x44: {  	_ =	shalt  }
0x45: {  	_ =	shalt  }
0x46: {  	_ =	shalt  }
0x47: {  	_ =	shalt  }
0x48: {  	_ =	shalt  }
0x49: {  	_ =	shalt  }
0x4a: {  	_ =	shalt  }
0x4b: {  	_ =	shalt  }
0x4c: {  	_ =	shalt  }
0x4d: {  	_ =	shalt  }
0x4e: {  	_ =	shalt  }
0x4f: {  	_ =	shalt  }
0x50: {  	_ =	shalt  }
0x51: {  	_ =	shalt  }
0x52: {  	_ =	shalt  }
0x53: {  	_ =	shalt  }
0x54: {  	_ =	shalt  }
0x55: {  	_ =	shalt  }
0x56: {  	_ =	shalt  }
0x57: {  	_ =	shalt  }
0x58: {  	_ =	shalt  }
0x59: {  	_ =	shalt  }
0x5a: {  	_ =	shalt  }
0x5b: {  	_ =	shalt  }
0x5c: {  	_ =	shalt  }
0x5d: {  	_ =	shalt  }
0x5e: {  	_ =	shalt  }
0x5f: {  	_ =	shalt  }
0x60: {  	_ =	shalt  }
0x61: {  	_ =	shalt  }
0x62: {  	_ =	shalt  }
0x63: {  	_ =	shalt  }
0x64: {  	_ =	shalt  }
0x65: {  	_ =	shalt  }
0x66: {  	_ =	shalt  }
0x67: {  	_ =	shalt  }
0x68: {  	_ =	shalt  }
0x69: {  	_ =	shalt  }
0x6a: {  	_ =	shalt  }
0x6b: {  	_ =	shalt  }
0x6c: {  	_ =	shalt  }
0x6d: {  	_ =	shalt  }
0x6e: {  	_ =	shalt  }
0x6f: {  	_ =	shalt  }
0x70: {  	_ =	shalt  }
0x71: {  	_ =	shalt  }
0x72: {  	_ =	shalt  }
0x73: {  	_ =	shalt  }
0x74: {  	_ =	shalt  }
0x75: {  	_ =	shalt  }
0x76: {  	_ =	shalt  }
0x77: {  	_ =	shalt  }
0x78: {  	_ =	shalt  }
0x79: {  	_ =	shalt  }
0x7a: {  	_ =	shalt  }
0x7b: {  	_ =	shalt  }
0x7c: {  	_ =	shalt  }
0x7d: {  	_ =	shalt  }
0x7e: {  	_ =	shalt  }
0x7f: {  	_ =	shalt  }
0x80: {  	_ =	shalt  }
0x81: {  	_ =	shalt  }
0x82: {  	_ =	shalt  }
0x83: {  	_ =	shalt  }
0x84: {  	_ =	shalt  }
0x85: {  	_ =	shalt  }
0x86: {  	_ =	shalt  }
0x87: {  	_ =	shalt  }
.Lfunc_end0:
.L_simem_size_0:
called_computation_lowered:
.L_overlay_start_0:
0x88: {  	s2 =	sld [smem:$0x3FD9]  }
0x89: {  	s3 =	sld [smem:$0x3FFE];
	_ =	sdelay $0x1  }
0x8a: {  	s1 =	srdreg.scid  }
0x8b: {  	s0 =	sand.u32 $0x1, s1  }
0x8c: {  	s17 =	sshll.u32 s0, $0xA;
	s2 =	sadd.s32 s3, s2  }
0x8d: {  	s2 =	sadd.s32 s2, s17  }
0x8e: {  	[smem:$0x3FC6] =	sst s2  }
0x8f: {  	_ = 	snop  }
0x90: {  	s2 =	sld [smem:$0x3FD0];
	(tm) =	ssettm $0x1  }
0x91: {  	s18 =	sld [smem:$0x3FFB];
	_ =	sdelay $0x3  }
0x92: {  	_ =	strace s18  }
0x93: {  	s3 =	sld [smem:$0x3FFC];
	_ =	sdelay $0x3  }
0x94: {  	_ =	strace s3  }
0x95: {  	s3 =	sld [smem:$0x3FFD];
	_ =	sdelay $0x3  }
0x96: {  	_ =	strace s3  }
0x97: {  	_ =	strace $0x8FFFFFFF  }
0x98: {  	s19 =	sld [smem:$0x3FDB];
	_ =	sdelay $0x1  }
0x99: {  	s4 =	simm.s32 $_scs_section_size  }
0x9a: {  	s5 =	simm.s32 $_size__tile_overlayer_lowered;
	s6 =	simm.s32 $_tile_overlayer_lowered  }
0x9b: {  	s22 =	simm.s32 $0x1BFF;
	s21 =	sshll.u32 s6, $0x1;
	s3 =	sadd.s32 s4, s19  }
0x9c: {  	s7 =	simm.s32 $0x0;
	s20 =	sshll.u32 s5, $0x1;
	s5 =	sadd.s32 s21, s3  }
0x9d: {  	[timem:s7], [sflag:s22] =	dma.local [hbm:s5], s20  }
0x9e: {  	_ =	swait.ge [sflag:s22], s20  }
0x9f: {  	s4 =	ssub.s32 $0x0, s20;
	[sflag:s22] =	ssyncset.done $0x0  }
0xa0: {  	[sflag:s22] =	ssyncadd.s32 s4;
	_ =	sdelay $0x1  }
0xa1: {  	s23 =	simm.s32 $0x1B8B  }
0xa2: {  	_ =	swait.ge [sflag:s23], $0x1  }
0xa3: {  	[sflag:s23] =	ssyncset.done $0x0  }
0xa4: {  	s25 =	simm.s32 $0x1B8E;
	s24 =	sld [smem:$0x3FFE];
	[sflag:s23] =	ssyncadd.s32 $0xFFFFFFFF  }
0xa5: {  	s26 =	simm.s32 $execute0_lowered;
	[smem:$0x3FD2] =	sst s25  }
0xa6: {  	s5 =	sshll.u32 s26, $0x1;
	_ =	strace $0x80000046;
	[dreg:$0x1] =	wrdreg $0xFFFFFFFF  }
0xa7: {  	s28 =	simm.s32 $_size_execute0_lowered;
	s3 =	sadd.s32 s3, s5;
	[dreg:$0x0] =	wrdreg $0x0  }
0xa8: {  	s5 =	sshll.u32 s28, $0x1;
	[dreg:$0x2] =	wrdreg s3  }
0xa9: {  	[dreg:$0x3] =	wrdreg s5  }
0xaa: {  	[dreg:$0x4] =	wrdreg $0xC0  }
0xab: {  	_ =	task [dreg:s7], $0x5FFFF  }
0xac: {  	[dreg:$0x1] =	wrdreg $0xFFFFFFFF  }
0xad: {  	[dreg:$0x0] =	wrdreg $0x60  }
0xae: {  	[dreg:$0x2] =	wrdreg s24  }
0xaf: {  	[dreg:$0x3] =	wrdreg s2  }
0xb0: {  	[dreg:$0x4] =	wrdreg $0x9  }
0xb1: {  	_ =	task.clear_ibuf [dreg:s7], $0x5FFFF;
	_ =	strace $0x90000046  }
0xb2: {  	s29 =	simm.s32 $0x9;
	_ =	strace $0x80000048  }
0xb3: {  	_ =	swait.ge [sflag:s29], $0x1  }
0xb4: {  	[sflag:s29] =	ssyncadd.s32 $0xFFFFFFFF  }
0xb5: {  	_ =	strace $0x90000048  }
0xb6: {  	_ =	sfence  }
0xb7: {  	s30 =	sld [smem:$0x0];
	_ =	sdelay $0x2  }
0xb8: {  	s31 =	sshll.u32 s1, $0xD;
	s1 =	sshrl.u32 s1, $0x2  }
0xb9: {  	s3 =	sand.u32 $0x4000, s31;
	s1 =	sadd.s32 s1, s30  }
0xba: {  	s0 =	sor.u32 s3, s0;
	s1 =	sshll.u32 s1, $0x11  }
0xbb: {  	s0 =	sor.u32 s1, s0  }
0xbc: {  	s0 =	sadd.s32 $0x8F2B, s0  }
0xbd: {  	[sflag:s0] =	ssyncadd.remote.s32 $0x1  }
0xbe: {  	_ =	sfence.sel $0xFFFF  }
0xbf: {  	[dreg:$0x0] =	wrdreg $0xFFFFFFFF;
	(pc) =	sbr.abs _section_cstart, $3  }
0xc0: {  	[dreg:$0x1] =	wrdreg $0xFFFFFFFF  }
0xc1: {  	_ =	task.clear_ibuf [dreg:s7], $0x2FFFF;
	_ =	strace $0x9FFFFFFF  }
0xc2: {  	(tm) =	ssettm $0x7FFFFFFF  }
0xc3: {  	_ =	shalt  }
tec
execute0_lowered:
.L_overlay_start_1:
0x0: {  	(tag) =	ssettag $0x1  }
0x1: {  	s4 =	rddreg [dreg:$0x0]  }
0x2: {  	s1 =	rddreg [dreg:$0x1]  }
0x3: {  	s3 =	srdreg.scid;
	s0 =	rddreg [dreg:$0x2];
	s2 =	simm.s32 $0x0  }
0x4: {  	s8 =	simm.s32 $0x400;
	s9 =	simm.s32 $0x1;
	s10 =	simm.s32 $0x8080  }
0x5: {  	s11 =	simm.s32 $0x10080;
	s12 =	simm.s32 $0x4000;
	s5 =	sand.u32 $0x1, s3  }
0x6: {  	v0 =	vlaneseq.u32;
	[smem:$0x7FF] =	sst s2;
	s3 =	stileid.u32;
	s6 =	ssub.s32 $0x2, s5  }
0x7: {  	v1 =	vimm.s32 $0x0;
	v2 =	vmul.u32 $0x800, v0;
	s4 =	sadd.s32 $0x800, s4;
	v5 =	vmul.u32 $0xFFFFFFFF, v0;
	_ =	strace $0x80000047;
	s7 =	sshrl.u32 s6, $0x1  }
0x8: {  	v3 =	vimm.s32 $0x1;
	v6 =	vimm.s32 $0x80000000;
	v7 =	vimm.f32 $1.000000000e+00;
	s31 =	sshll.u32 s3, $0xD;
	s5 =	sshll.u32 s5, $0x6;
	s6 =	ssub.s32 s6, s7  }
0x9: {  	v4 =	vmul.u32 $0x80, v0;
	s5 =	sor.u32 s31, s5;
	v2 =	vor.u32 $0x400, v2;
	v5 =	vadd.s32 $0xF, v5;
	s7 =	simm.s32 $0x80;
	s6 =	smax.u32 s6, $0x1  }
.LBB2_1:
0xa: {  	s13 =	simm.s32 $0x40;
	s14 =	simm.s32 $0x0  }
.LBB2_2:
0xb: {  	p0 =	sne.s32 s13, $0x1FFC0;
	[tilespmem:s14+$0x8080] =	vst v1;
	s14 =	smov.u32 s13;
	s13 =	sadd.s32 $0x40, s13  }
.Ltmp0:
0xc: {  	(pc) =	sbr.rel @p0 .LBB2_2-.Ltmp0, $2  }
0xd: {  	_ =	sdelay $0x2  }
0xe: {  	s14 =	sshra.s32 s14, $0x2  }
0xf: {  	[tilespmem:s14+$0x8080] =	vst v1;
	s13 =	simm.s32 $0x0;
	s14 =	simm.s32 $0x40;
	s15 =	simm.s32 $0x0  }
.LBB2_4:
0x10: {  	p0 =	sne.s32 s14, $0x1FC0;
	[tilespmem:s15+$0x10080] =	vst v1;
	s15 =	smov.u32 s14;
	s14 =	sadd.s32 $0x40, s14  }
.Ltmp1:
0x11: {  	(pc) =	sbr.rel @p0 .LBB2_4-.Ltmp1, $2  }
0x12: {  	_ =	sdelay $0x2  }
0x13: {  	s15 =	sshra.s32 s15, $0x2  }
0x14: {  	[tilespmem:s15+$0x10080] =	vst v1  }
.LBB2_6:
0x15: {  	s14 =	sshll.u32 s13, $0x4  }
0x16: {  	s14 =	sadd.s32 s5, s14  }
0x17: {  	s16 =	simm.s32 $0x0;
	s15 =	sadd.s32 s4, s14  }
0x18: {  	[tilespmem:s16], [sflag:$0x1] =	stream.strided.gather [hbm4b:s15+s7], $0x2000, s8, s7, $0x38;
	[tilespmem:$0x10900] =	vst v63  }
0x19: {  	_ =	swait.ge [sflag:s9], $0x2000  }
0x1a: {  	[sflag:s9] =	ssyncset.done $0x0  }
0x1b: {  	s31 =	simm.s32 $0x0;
	[sflag:s9] =	ssyncadd.s32 $0xFFFFE000  }
0x1c: {  	v8 =	vld [tilespmem:s31+$0x0];
	_ =	sdelay $0x4  }
0x1d: {  	vm0 =	vlt.s32 v8, $0x0;
	v9 =	vxor.u32 $0x7FFFFFFF, v8  }
0x1e: {  	v8 =	vsel vm0, v9, v8  }
0x1f: {  	v9 =	vshra.s32 v8, $0x15  }
0x20: {  	v10 =	vadd.s32 v2, v9;
	v9 =	vadd.s32 $0x400, v9  }
0x21: {  	v9 =	vshrl.u32 v9, $0x4  }
0x22: {  	[tilespmem:s31+$0x2000] =	vst v8;
	v8 =	vadd.s32 v4, v9;
	_ =	sdelay $0x2  }
0x23: {  	s15 =	simm.s32 $0x40;
	s16 =	simm.s32 $0x80;
	[tilespmem:v10+s10+$0x0] =	vst.idx.add.s32.msk $0xffff, v3  }
.LBB2_7:
0x24: {  	p0 =	sne.s32 s16, $0x7FC0  }
0x25: {  	s17 =	sshra.s32 s15, $0x2;
	[tilespmem:v8+s11+$0x0] =	vst.idx.add.s32.msk $0xffff, v3;
	s15 =	smov.u32 s16;
	s16 =	sadd.s32 $0x40, s16  }
0x26: {  	v8 =	vld [tilespmem:s17+$0x0];
	_ =	sdelay $0x4  }
0x27: {  	vm0 =	vlt.s32 v8, $0x0;
	v9 =	vxor.u32 $0x7FFFFFFF, v8  }
0x28: {  	v9 =	vsel vm0, v9, v8  }
0x29: {  	v8 =	vshra.s32 v9, $0x15  }
0x2a: {  	v10 =	vadd.s32 $0x400, v8;
	v11 =	vadd.s32 v2, v8  }
.Ltmp2:
0x2b: {  	v8 =	vshrl.u32 v10, $0x4;
	(pc) =	sbr.rel @p0 .LBB2_7-.Ltmp2, $3  }
0x2c: {  	v8 =	vadd.s32 v4, v8;
	_ =	sdelay $0x1  }
0x2d: {  	[tilespmem:s17+$0x2000] =	vst v9  }
0x2e: {  	[tilespmem:v11+s10+$0x0] =	vst.idx.add.s32.msk $0xffff, v3  }
0x2f: {  	_ =	sdelay $0x3  }
0x30: {  	s15 =	sshra.s32 s15, $0x2;
	[tilespmem:v8+s11+$0x0] =	vst.idx.add.s32.msk $0xffff, v3  }
0x31: {  	v8 =	vld [tilespmem:s15+$0x0];
	_ =	sdelay $0x4  }
0x32: {  	vm0 =	vlt.s32 v8, $0x0;
	v9 =	vxor.u32 $0x7FFFFFFF, v8  }
0x33: {  	v8 =	vsel vm0, v9, v8  }
0x34: {  	v9 =	vshra.s32 v8, $0x15  }
0x35: {  	v10 =	vadd.s32 $0x400, v9  }
0x36: {  	v9 =	vadd.s32 v2, v9;
	v10 =	vshrl.u32 v10, $0x4  }
0x37: {  	v10 =	vadd.s32 v4, v10;
	_ =	sdelay $0x2  }
0x38: {  	[tilespmem:s15+$0x2000] =	vst v8  }
0x39: {  	[tilespmem:v9+s10+$0x0] =	vst.idx.add.s32.msk $0xffff, v3  }
0x3a: {  	s15 =	simm.s32 $0x0;
	[tilespmem:v10+s11+$0x0] =	vst.idx.add.s32.msk $0xffff, v3  }
0x3b: {  	v8 =	vld [tilespmem:s15+$0x10080]  }
0x3c: {  	v9 =	vld [tilespmem:s15+$0x10100]  }
0x3d: {  	v10 =	vld [tilespmem:s15+$0x10180]  }
0x3e: {  	v11 =	vld [tilespmem:s15+$0x10200]  }
0x3f: {  	v12 =	vld [tilespmem:s15+$0x10280]  }
0x40: {  	v13 =	vld [tilespmem:s15+$0x10300]  }
0x41: {  	v8 =	vadd.s32 v8, v9;
	v9 =	vld [tilespmem:s15+$0x10380]  }
0x42: {  	v8 =	vadd.s32 v10, v8;
	v10 =	vld [tilespmem:s15+$0x10400]  }
0x43: {  	v8 =	vadd.s32 v11, v8;
	v11 =	vld [tilespmem:s15+$0x10480]  }
0x44: {  	v8 =	vadd.s32 v12, v8;
	v12 =	vld [tilespmem:s15+$0x10500]  }
0x45: {  	v8 =	vadd.s32 v13, v8;
	v13 =	vld [tilespmem:s15+$0x10580]  }
0x46: {  	v14 =	vld [tilespmem:s15+$0x10600];
	v8 =	vadd.s32 v9, v8  }
0x47: {  	v9 =	vld [tilespmem:s15+$0x10680];
	v8 =	vadd.s32 v10, v8  }
0x48: {  	v10 =	vld [tilespmem:s15+$0x10700];
	v8 =	vadd.s32 v11, v8  }
0x49: {  	v11 =	vld [tilespmem:s15+$0x10780];
	v8 =	vadd.s32 v12, v8  }
0x4a: {  	s16 =	simm.s32 $0x10;
	v12 =	vld [tilespmem:s15+$0x10800];
	v13 =	vadd.s32 v13, v8  }
0x4b: {  	s17 =	simm.s32 $0x80;
	v8 =	vld [tilespmem:s16+$0x10080];
	v13 =	vadd.s32 v14, v13  }
.LBB2_9:
0x4c: {  	p0 =	sne.s32 s17, $0x1C0;
	v14 =	vld [tilespmem:s16+$0x10100];
	v9 =	vadd.s32 v9, v13  }
0x4d: {  	v13 =	vld [tilespmem:s16+$0x10180];
	v9 =	vadd.s32 v10, v9  }
0x4e: {  	v10 =	vld [tilespmem:s16+$0x10200];
	v9 =	vadd.s32 v11, v9  }
0x4f: {  	v11 =	vld [tilespmem:s16+$0x10280];
	v9 =	vadd.s32 v12, v9  }
0x50: {  	v12 =	vld [tilespmem:s16+$0x10300];
	[tilespmem:s15+$0x10880] =	vst v9;
	s15 =	smov.u32 s16  }
0x51: {  	v8 =	vadd.s32 v8, v14;
	v9 =	vld [tilespmem:s15+$0x10380]  }
0x52: {  	v8 =	vadd.s32 v13, v8;
	v13 =	vld [tilespmem:s15+$0x10400]  }
0x53: {  	v8 =	vadd.s32 v10, v8;
	v10 =	vld [tilespmem:s15+$0x10480]  }
0x54: {  	v8 =	vadd.s32 v11, v8;
	v11 =	vld [tilespmem:s15+$0x10500]  }
0x55: {  	v8 =	vadd.s32 v12, v8;
	v12 =	vld [tilespmem:s15+$0x10580]  }
0x56: {  	v8 =	vadd.s32 v9, v8;
	v14 =	vld [tilespmem:s15+$0x10600]  }
.Ltmp3:
0x57: {  	v8 =	vadd.s32 v13, v8;
	v9 =	vld [tilespmem:s15+$0x10680];
	(pc) =	sbr.rel @p0 .LBB2_9-.Ltmp3, $4  }
0x58: {  	v8 =	vadd.s32 v10, v8;
	v10 =	vld [tilespmem:s15+$0x10700]  }
0x59: {  	v8 =	vadd.s32 v11, v8;
	v11 =	vld [tilespmem:s15+$0x10780]  }
0x5a: {  	s16 =	sshra.s32 s17, $0x2;
	v13 =	vadd.s32 v12, v8;
	v12 =	vld [tilespmem:s15+$0x10800]  }
0x5b: {  	s17 =	sadd.s32 $0x40, s17;
	v8 =	vld [tilespmem:s16+$0x10080];
	v13 =	vadd.s32 v14, v13  }
0x5c: {  	v14 =	vld [tilespmem:s16+$0x10100];
	v9 =	vadd.s32 v9, v13  }
0x5d: {  	v13 =	vld [tilespmem:s16+$0x10180];
	v9 =	vadd.s32 v10, v9  }
0x5e: {  	v10 =	vld [tilespmem:s16+$0x10200];
	v9 =	vadd.s32 v11, v9  }
0x5f: {  	v11 =	vld [tilespmem:s16+$0x10280];
	v9 =	vadd.s32 v12, v9  }
0x60: {  	v12 =	vld [tilespmem:s16+$0x10300];
	[tilespmem:s15+$0x10880] =	vst v9  }
0x61: {  	v8 =	vadd.s32 v8, v14;
	v9 =	vld [tilespmem:s16+$0x10380]  }
0x62: {  	v8 =	vadd.s32 v13, v8;
	v13 =	vld [tilespmem:s16+$0x10400]  }
0x63: {  	v8 =	vadd.s32 v10, v8;
	v10 =	vld [tilespmem:s16+$0x10480]  }
0x64: {  	v8 =	vadd.s32 v11, v8;
	v11 =	vld [tilespmem:s16+$0x10500]  }
0x65: {  	v8 =	vadd.s32 v12, v8;
	v12 =	vld [tilespmem:s16+$0x10580]  }
0x66: {  	v8 =	vadd.s32 v9, v8;
	v9 =	vld [tilespmem:s16+$0x10600]  }
0x67: {  	v8 =	vadd.s32 v13, v8;
	v13 =	vld [tilespmem:s16+$0x10680]  }
0x68: {  	v8 =	vadd.s32 v10, v8;
	v10 =	vld [tilespmem:s16+$0x10700]  }
0x69: {  	v8 =	vadd.s32 v11, v8;
	v11 =	vld [tilespmem:s16+$0x10780]  }
0x6a: {  	v8 =	vadd.s32 v12, v8;
	v12 =	vld [tilespmem:s16+$0x10800]  }
0x6b: {  	v8 =	vadd.s32 v9, v8  }
0x6c: {  	v8 =	vadd.s32 v13, v8  }
0x6d: {  	v8 =	vadd.s32 v10, v8  }
0x6e: {  	v8 =	vadd.s32 v11, v8  }
0x6f: {  	v8 =	vadd.s32 v12, v8  }
0x70: {  	s22 =	simm.s32 $0x108F0;
	[tilespmem:s16+$0x10880] =	vst v8  }
0x71: {  	v8 =	vld [tilespmem:s22+$0x0];
	_ =	sdelay $0x4  }
0x72: {  	(xrf0) =	vadd.scan.msk.s32 $0xffff, v8;
	_ =	sdelay $0x1  }
0x73: {  	v9 =	vperm.xlane v8, v5;
	_ =	sdelay $0x1  }
0x74: {  	(xrf0) =	vadd.scan.msk.s32 $0xffff, v9;
	_ =	sdelay $0x1  }
0x75: {  	v9, _, _ =	vpop (xrf0)  }
0x76: {  	(v2sf) =	vpush v9, $0xF;
	_ =	sdelay $0x2  }
0x77: {  	v9, _, _ =	vpop (xrf0)  }
0x78: {  	v10 =	vperm.xlane v9, v5  }
0x79: {  	s23 =	simm.s32 $0x108E0;
	s15 =	simm.s32 $0x0  }
0x7a: {  	v12 =	vld [tilespmem:s23+$0x0];
	v9 =	vadd.s32 s15, v10  }
0x7b: {  	vm0 =	vgt.s32 v9, $0xF5  }
0x7c: {  	v9 =	vsel vm0, $0x1, v1  }
0x7d: {  	(xrf0) =	vadd.scan.msk.s32 $0xffff, v9;
	_ =	sdelay $0x1  }
0x7e: {  	v9 =	vperm.xlane v12, v5;
	_ =	sdelay $0x1  }
0x7f: {  	(xrf0) =	vadd.scan.msk.s32 $0xffff, v12  }
0x80: {  	(xrf0) =	vadd.scan.msk.s32 $0xffff, v9  }
0x81: {  	v9, _, _ =	vpop (xrf0);
	s24 =	spop (v2sf)  }
0x82: {  	(v2sf) =	vpush v9, $0xF;
	s17 =	sadd.s32 $0x0, s24  }
0x83: {  	p1 =	por $0x1, $0x1;
	p0 =	sgt.s32 s17, $0xF5  }
0x84: {  	p0 =	por !p1, !p0  }
0x85: {  	v9, _, _ =	vpop (xrf0);
	p0 =	por !p0, !p0  }
0x86: {  	(v2sf) =	vpush v9, $0xF;
	v9, _, _ =	vpop (xrf0);
	p2 =	por !p0, !p0  }
0x87: {  	s16 =	simm.s32 $0x0;
	v13 =	vperm.xlane v9, v5;
	p2 =	por @!p1 p0, p0  }
0x88: {  	s16 =	smov.u32 @p2 s17  }
0x89: {  	v11 =	vadd.s32 s16, v13  }
0x8a: {  	vm11 =	vgt.s32 v11, $0xF5  }
0x8b: {  	v11 =	vsel vm11, $0x1, v1  }
0x8c: {  	(xrf0) =	vadd.scan.msk.s32 $0xffff, v11  }
0x8d: {  	s18 =	simm.s32 $0x108D0  }
0x8e: {  	v9 =	vld [tilespmem:s18+$0x0];
	_ =	sdelay $0x2  }
0x8f: {  	s25 =	spop (v2sf)  }
0x90: {  	s26 =	sadd.s32 $0xFFFFFFFF, s25;
	v14, _, _ =	vpop (xrf0)  }
0x91: {  	v11 =	vperm.xlane v9, v5;
	(xrf0) =	vadd.scan.msk.s32 $0xffff, v9;
	(v2sf) =	vpush v14, $0xF;
	v14 =	vmov s26  }
0x92: {  	vm12 =	veq.s32 v14, v0  }
0x93: {  	(xrf0) =	vadd.scan.msk.s32 $0xffff, v11;
	v10 =	vnsel vm12, $0x0, v10  }
0x94: {  	(xrf0) =	vadd.scan.msk.s32 $0xffff, v10;
	_ =	sdelay $0x1  }
0x95: {  	s19 =	simm.s32 $0xFFFFFFFF;
	v8 =	vnsel vm12, $0x0, v8  }
0x96: {  	p1 =	por p0, p0;
	s28 =	spop (v2sf);
	s17 =	sadd.s32 $0x6F, s25;
	v15, _, _ =	vpop (xrf0)  }
0x97: {  	s18 =	sadd.s32 s16, s28;
	s19 =	smov.u32 @p1 s17;
	(v2sf) =	vpush v15, $0xF  }
0x98: {  	p2 =	slt.s32 s19, $0x0;
	p5 =	sgt.s32 s18, $0xF5;
	(xrf0) =	vadd.scan.msk.s32 $0xffff, v8;
	v8, _, _ =	vpop (xrf0)  }
0x99: {  	p0 =	por !p2, !p5;
	v10, _, _ =	vpop (xrf0)  }
0x9a: {  	p0 =	por !p0, !p0;
	(v2sf) =	vpush v10, $0xF  }
0x9b: {  	p3 =	por !p0, !p0  }
0x9c: {  	s29 =	simm.s32 $0x108C0;
	s17 =	smov.u32 s16;
	p3 =	por @!p2 p0, p0;
	v11 =	vperm.xlane v8, v5  }
0x9d: {  	s17 =	smov.u32 @p3 s18;
	v8 =	vld [tilespmem:s29+$0x0]  }
0x9e: {  	v14 =	vadd.s32 s17, v11  }
0x9f: {  	vm13 =	vgt.s32 v14, $0xF5;
	v10, _, _ =	vpop (xrf0)  }
0xa0: {  	(v2sf) =	vpush v10, $0xF;
	v10 =	vsel vm13, $0x1, v1  }
0xa1: {  	(xrf0) =	vadd.scan.msk.s32 $0xffff, v10  }
0xa2: {  	(xrf0) =	vadd.scan.msk.s32 $0xffff, v8  }
0xa3: {  	v10 =	vperm.xlane v8, v5  }
0xa4: {  	s30 =	spop (v2sf)  }
0xa5: {  	(xrf0) =	vadd.scan.msk.s32 $0xffff, v10;
	s21 =	sadd.s32 $0xFFFFFFFF, s30  }
0xa6: {  	p0 =	por p0, p0;
	s20 =	spop (v2sf);
	s18 =	sadd.s32 $0x5F, s30;
	v10 =	vmov s21  }
0xa7: {  	s20 =	sadd.s32 s17, s20;
	s19 =	smov.u32 @p0 s18;
	vm14 =	veq.s32 v10, v0;
	v14, _, _ =	vpop (xrf0)  }
0xa8: {  	p3 =	slt.s32 s19, $0x0;
	p6 =	sgt.s32 s20, $0xF5;
	v10 =	vnsel vm14, $0x0, v13;
	v13, _, _ =	vpop (xrf0);
	(v2sf) =	vpush v14, $0xF  }
0xa9: {  	p2 =	por !p3, !p6;
	s31 =	spop (v2sf);
	(v2sf) =	vpush v13, $0xF  }
0xaa: {  	v12 =	vnsel vm14, $0x0, v12;
	p2 =	por !p2, !p2;
	(xrf0) =	vadd.scan.msk.s32 $0xffff, v10  }
0xab: {  	p4 =	por !p2, !p2;
	(xrf0) =	vadd.scan.msk.s32 $0xffff, v12;
	v10, _, _ =	vpop (xrf0)  }
0xac: {  	s24 =	simm.s32 $0x108B0;
	s18 =	smov.u32 s17;
	p4 =	por @!p3 p2, p2;
	v12 =	vperm.xlane v10, v5  }
0xad: {  	v10 =	vld [tilespmem:s24+$0x0];
	s18 =	smov.u32 @p4 s20  }
0xae: {  	v15 =	vadd.s32 s18, v12  }
0xaf: {  	s22 =	simm.s32 $0x3F;
	vm15 =	vgt.s32 v15, $0xF5  }
0xb0: {  	s25 =	simm.s32 $0x4F;
	v14, _, _ =	vpop (xrf0);
	s20 =	sadd.s32 $0x0, s31;
	s23 =	spop (v2sf);
	v13 =	vsel vm15, $0x1, v1  }
0xb1: {  	p1 =	por p1, p1;
	s26 =	simm.s32 $0x1F;
	(v2sf) =	vpush v14, $0xF;
	v14, _, _ =	vpop (xrf0);
	s20 =	ssub.s32 s23, s20;
	(xrf0) =	vadd.scan.msk.s32 $0xffff, v13  }
0xb2: {  	s21 =	simm.s32 $0x2F;
	v13 =	vperm.xlane v10, v5;
	(v2sf) =	vpush v14, $0xF;
	s23 =	sadd.s32 $0xF6, s20;
	s20 =	smov.u32 s18;
	(xrf0) =	vadd.scan.msk.s32 $0xffff, v10  }
.LBB2_11:
0xb3: {  	p3 =	sne.s32 s26, $0xFFFFFFFF;
	s15 =	smov.u32 @p1 s23;
	s23 =	smov.u32 s26  }
0xb4: {  	s26 =	sadd.s32 $0xFFFFFFF0, s26;
	p1 =	por p0, p0;
	p0 =	por p2, p2  }
0xb5: {  	(xrf0) =	vadd.scan.msk.s32 $0xffff, v13;
	_ =	sdelay $0x1  }
0xb6: {  	s28 =	spop (v2sf)  }
0xb7: {  	s29 =	spop (v2sf);
	v13, _, _ =	vpop (xrf0);
	s30 =	sadd.s32 $0xFFFFFFFF, s28;
	s25 =	sadd.s32 s25, s28  }
0xb8: {  	v14, _, _ =	vpop (xrf0);
	s28 =	sadd.s32 s18, s29;
	(v2sf) =	vpush v13, $0xF;
	v15 =	vmov s30;
	s19 =	smov.u32 @p0 s25;
	s25 =	smov.u32 s22  }
0xb9: {  	s22 =	smov.u32 s21;
	(v2sf) =	vpush v14, $0xF;
	p4 =	slt.s32 s19, $0x0;
	p2 =	sgt.s32 s28, $0xF5;
	vm0 =	veq.s32 v15, v0  }
0xba: {  	s21 =	smov.u32 s23;
	v13, _, _ =	vpop (xrf0);
	p2 =	por !p4, !p2;
	v14 =	vnsel vm0, $0x0, v11;
	v15 =	vnsel vm0, $0x0, v9;
	v11 =	vmov v12  }
0xbb: {  	v9 =	vmov v8;
	v8 =	vmov v10;
	p2 =	por !p2, !p2;
	(xrf0) =	vadd.scan.msk.s32 $0xffff, v14  }
0xbc: {  	p5 =	por !p2, !p2;
	(xrf0) =	vadd.scan.msk.s32 $0xffff, v15  }
0xbd: {  	s24 =	sadd.s32 $0xFFFFFFF0, s24;
	v12 =	vperm.xlane v13, v5;
	p5 =	por @!p4 p2, p2  }
0xbe: {  	v10 =	vld [tilespmem:s24+$0x0];
	s18 =	smov.u32 @p5 s28  }
.Ltmp4:
0xbf: {  	v13 =	vadd.s32 s18, v12;
	(pc) =	sbr.rel @p3 .LBB2_11-.Ltmp4, $4  }
0xc0: {  	vm0 =	vgt.s32 v13, $0xF5;
	s23 =	spop (v2sf)  }
0xc1: {  	v13 =	vsel vm0, $0x1, v1;
	v14, _, _ =	vpop (xrf0);
	s23 =	sadd.s32 s23, s16;
	s28 =	spop (v2sf);
	s16 =	smov.u32 s17  }
0xc2: {  	s17 =	smov.u32 s20;
	s20 =	smov.u32 s18;
	(xrf0) =	vadd.scan.msk.s32 $0xffff, v13;
	(v2sf) =	vpush v14, $0xF;
	v14, _, _ =	vpop (xrf0);
	s23 =	ssub.s32 s28, s23  }
0xc3: {  	v13 =	vperm.xlane v10, v5;
	(xrf0) =	vadd.scan.msk.s32 $0xffff, v10;
	(v2sf) =	vpush v14, $0xF;
	s23 =	sadd.s32 $0xF6, s23  }
0xc4: {  	_ =	sdelay $0x2  }
0xc5: {  	(xrf0) =	vadd.scan.msk.s32 $0xffff, v13;
	s24 =	spop (v2sf)  }
0xc6: {  	p2 =	por p2, p2;
	s26 =	spop (v2sf);
	s25 =	sadd.s32 s25, s24  }
0xc7: {  	s26 =	sadd.s32 s18, s26;
	s19 =	smov.u32 @p2 s25  }
0xc8: {  	p4 =	slt.s32 s19, $0x0;
	p3 =	sgt.s32 s26, $0xF5  }
0xc9: {  	v43, _, _ =	vpop (xrf0);
	p3 =	por !p4, !p3  }
0xca: {  	v14, _, _ =	vpop (xrf0);
	p3 =	por !p3, !p3  }
0xcb: {  	s24 =	sadd.s32 $0xFFFFFFFF, s24;
	v15, _, _ =	vpop (xrf0);
	p5 =	por !p3, !p3  }
0xcc: {  	v16 =	vmov s24;
	v15 =	vperm.xlane v15, v5;
	p5 =	por @!p4 p3, p3  }
0xcd: {  	vm0 =	veq.s32 v16, v0;
	s18 =	smov.u32 @p5 s26  }
0xce: {  	v11 =	vnsel vm0, $0x0, v11;
	v44 =	vadd.s32 s18, v15  }
0xcf: {  	v9 =	vnsel vm0, $0x0, v9;
	(xrf0) =	vadd.scan.msk.s32 $0xffff, v11;
	vm0 =	vgt.s32 v44, $0xF5  }
0xd0: {  	(xrf0) =	vadd.scan.msk.s32 $0xffff, v9;
	v9 =	vsel vm0, $0x1, v1  }
0xd1: {  	(xrf0) =	vadd.scan.msk.s32 $0xffff, v9;
	_ =	sdelay $0x1  }
0xd2: {  	(v2sf) =	vpush v43, $0xF  }
0xd3: {  	(v2sf) =	vpush v14, $0xF  }
0xd4: {  	v9, _, _ =	vpop (xrf0)  }
0xd5: {  	(v2sf) =	vpush v9, $0xF;
	v9, _, _ =	vpop (xrf0)  }
0xd6: {  	(v2sf) =	vpush v9, $0xF;
	v9, _, _ =	vpop (xrf0)  }
0xd7: {  	(v2sf) =	vpush v9, $0xF;
	_ =	sdelay $0x7  }
0xd8: {  	s25 =	spop (v2sf)  }
0xd9: {  	s24 =	spop (v2sf)  }
0xda: {  	s28 =	spop (v2sf)  }
0xdb: {  	p3 =	por p3, p3;
	s29 =	spop (v2sf);
	s22 =	sadd.s32 s22, s28  }
0xdc: {  	s26 =	sadd.s32 s18, s29;
	s19 =	smov.u32 @p3 s22  }
0xdd: {  	p5 =	slt.s32 s19, $0x0;
	p6 =	sgt.s32 s26, $0xF5;
	s22 =	spop (v2sf)  }
0xde: {  	p4 =	por !p5, !p6;
	s26 =	spop (v2sf)  }
0xdf: {  	p4 =	por !p4, !p4;
	s29 =	spop (v2sf)  }
0xe0: {  	p4 =	por p4, p4;
	s21 =	sadd.s32 s21, s29  }
0xe1: {  	s19 =	smov.u32 @p4 s21  }
0xe2: {  	s30 =	sadd.s32 $0xFFFFFFFF, s28;
	s19 =	sshll.u32 s19, $0x4  }
0xe3: {  	v9 =	vmov s30;
	v11 =	vld [tilespmem:s19+$0x8080]  }
0xe4: {  	vm0 =	veq.s32 v9, v0;
	s31 =	sadd.s32 $0xFFFFFFFF, s29;
	v9 =	vld [tilespmem:s19+$0x8880]  }
0xe5: {  	v12 =	vnsel vm0, $0x0, v12;
	v45 =	vmov s31;
	v46 =	vld [tilespmem:s19+$0x9080]  }
0xe6: {  	v8 =	vnsel vm0, $0x0, v8;
	(xrf0) =	vadd.scan.msk.s32 $0xffff, v12;
	vm0 =	veq.s32 v45, v0;
	v47 =	vld [tilespmem:s19+$0x9880]  }
0xe7: {  	(xrf0) =	vadd.scan.msk.s32 $0xffff, v8;
	v8 =	vnsel vm0, $0x0, v15;
	v48 =	vld [tilespmem:s19+$0xA080]  }
0xe8: {  	v10 =	vnsel vm0, $0x0, v10;
	(xrf0) =	vadd.scan.msk.s32 $0xffff, v8;
	v8 =	vld [tilespmem:s19+$0xA880]  }
0xe9: {  	(xrf0) =	vadd.scan.msk.s32 $0xffff, v10;
	v10 =	vld [tilespmem:s19+$0xB080];
	v9 =	vadd.s32 v11, v9  }
0xea: {  	v11 =	vld [tilespmem:s19+$0xB880];
	v9 =	vadd.s32 v46, v9  }
0xeb: {  	v49 =	vld [tilespmem:s19+$0xC080];
	v9 =	vadd.s32 v47, v9  }
0xec: {  	v50, _, _ =	vpop (xrf0);
	v51 =	vld [tilespmem:s19+$0xC880];
	v9 =	vadd.s32 v48, v9  }
0xed: {  	(v2sf) =	vpush v50, $0xF;
	v52, _, _ =	vpop (xrf0);
	v8 =	vadd.s32 v8, v9;
	v9 =	vld [tilespmem:s19+$0xD080]  }
0xee: {  	(v2sf) =	vpush v52, $0xF;
	v53, _, _ =	vpop (xrf0);
	v8 =	vadd.s32 v10, v8;
	v10 =	vld [tilespmem:s19+$0xD880]  }
0xef: {  	(v2sf) =	vpush v53, $0xF;
	v54, _, _ =	vpop (xrf0);
	v8 =	vadd.s32 v11, v8;
	v11 =	vld [tilespmem:s19+$0xE080]  }
0xf0: {  	v55 =	vld [tilespmem:s19+$0xE880];
	(v2sf) =	vpush v54, $0xF;
	v8 =	vadd.s32 v49, v8  }
0xf1: {  	v56 =	vld [tilespmem:s19+$0xF080];
	v8 =	vadd.s32 v51, v8  }
0xf2: {  	v8 =	vadd.s32 v9, v8;
	v9 =	vld [tilespmem:s19+$0xF880]  }
0xf3: {  	v8 =	vadd.s32 v10, v8  }
0xf4: {  	v8 =	vadd.s32 v11, v8  }
0xf5: {  	v8 =	vadd.s32 v55, v8  }
0xf6: {  	v8 =	vadd.s32 v56, v8  }
0xf7: {  	v8 =	vadd.s32 v9, v8  }
0xf8: {  	v9 =	vperm.xlane v8, v5  }
0xf9: {  	s16 =	sadd.s32 s25, s16  }
0xfa: {  	s15 =	smov.u32 @p1 s23;
	s16 =	ssub.s32 s24, s16;
	(xrf0) =	vadd.scan.msk.s32 $0xffff, v9  }
0xfb: {  	p0 =	por p0, p0;
	s16 =	sadd.s32 $0xF6, s16;
	s17 =	sadd.s32 s22, s17  }
0xfc: {  	s15 =	smov.u32 @p0 s16;
	s22 =	ssub.s32 s26, s17;
	s23 =	spop (v2sf)  }
0xfd: {  	p0 =	por p2, p2;
	s16 =	sadd.s32 $0xF6, s22;
	s24 =	spop (v2sf)  }
0xfe: {  	s15 =	smov.u32 @p0 s16;
	s25 =	sadd.s32 s23, s20;
	s26 =	spop (v2sf)  }
0xff: {  	s16 =	ssub.s32 s24, s25;
	s17 =	sadd.s32 s26, s18;
	s28 =	spop (v2sf)  }
0x100: {  	p0 =	por p3, p3;
	s16 =	sadd.s32 $0xF6, s16;
	s17 =	ssub.s32 s28, s17;
	v9, _, _ =	vpop (xrf0)  }
0x101: {  	s15 =	smov.u32 @p0 s16;
	p0 =	por p4, p4;
	s16 =	sadd.s32 $0xF6, s17;
	v9 =	vperm.xlane v9, v5  }
0x102: {  	s15 =	smov.u32 @p0 s16  }
0x103: {  	vm0 =	vge.s32 v9, s15  }
0x104: {  	v10 =	vsel vm0, $0x1, v1  }
0x105: {  	(xrf0) =	vadd.scan.msk.s32 $0xffff, v10;
	_ =	sdelay $0x5  }
0x106: {  	v10, _, _ =	vpop (xrf0)  }
0x107: {  	(v2sf) =	vpush v10, $0xF;
	_ =	sdelay $0xa  }
0x108: {  	s29 =	simm.s32 $0x0  }
0x109: {  	v10 =	vld [tilespmem:s29+$0x2000];
	_ =	sdelay $0x2  }
0x10a: {  	s30 =	spop (v2sf)  }
0x10b: {  	s17 =	sadd.s32 $0xFFFFFFFF, s30  }
0x10c: {  	v57 =	vshra.s32 v10, $0x15;
	s16 =	sadd.s32 s19, s17  }
0x10d: {  	v58 =	vadd.s32 $0x400, v57;
	v11 =	vmov s16  }
0x10e: {  	vm0 =	veq.s32 v58, v11  }
0x10f: {  	v59 =	vsel vm0, $0x1, v1  }
0x110: {  	(xrf0) =	vadd.scan.msk.s32 $0xffff, v59  }
0x111: {  	v12 =	vadd.s32 v2, v57;
	v13 =	vshrl.u32 v58, $0x4  }
0x112: {  	v13 =	vadd.s32 v4, v13;
	_ =	sdelay $0x3  }
0x113: {  	[tilespmem:v12+s10+$0x0] =	vst.idx.msk $0xffff, v1;
	v60, _, _ =	vpop (xrf0)  }
0x114: {  	s18 =	simm.s32 $0x0;
	[tilespmem:v13+s11+$0x0] =	vst.idx.msk $0xffff, v1;
	(v2sf) =	vpush v60, $0xF  }
0x115: {  	s31 =	simm.s32 $0x10;
	[tilespmem:s18+$0x6000] =	vst.msk vm0, v10  }
0x116: {  	v10 =	vld [tilespmem:s31+$0x2000];
	_ =	sdelay $0x4  }
0x117: {  	v61 =	vshra.s32 v10, $0x15  }
0x118: {  	v62 =	vadd.s32 $0x400, v61  }
0x119: {  	v12 =	vadd.s32 v2, v61;
	v63 =	vshrl.u32 v62, $0x4;
	vm0 =	veq.s32 v62, v11  }
0x11a: {  	v14 =	vadd.s32 v4, v63;
	v13 =	vsel vm0, $0x1, v1  }
0x11b: {  	(xrf0) =	vadd.scan.msk.s32 $0xffff, v13;
	_ =	sdelay $0x2  }
0x11c: {  	[tilespmem:v12+s10+$0x0] =	vst.idx.msk $0xffff, v1  }
0x11d: {  	s19 =	simm.s32 $0x80;
	[tilespmem:v14+s11+$0x0] =	vst.idx.msk $0xffff, v1;
	s20 =	spop (v2sf)  }
.LBB2_13:
0x11e: {  	p0 =	sne.s32 s19, $0x7FC0  }
0x11f: {  	v12, _, _ =	vpop (xrf0);
	s18 =	sadd.s32 s18, s20;
	s20 =	smov.u32 s19;
	s19 =	sadd.s32 $0x40, s19  }
0x120: {  	s20 =	sshra.s32 s20, $0x2;
	[tilespmem:s18+$0x6000] =	vst.msk vm0, v10;
	(v2sf) =	vpush v12, $0xF  }
0x121: {  	v10 =	vld [tilespmem:s20+$0x2000];
	_ =	sdelay $0x4  }
0x122: {  	v12 =	vshra.s32 v10, $0x15  }
0x123: {  	v13 =	vadd.s32 $0x400, v12;
	v12 =	vadd.s32 v2, v12  }
0x124: {  	v14 =	vshrl.u32 v13, $0x4;
	vm0 =	veq.s32 v13, v11  }
0x125: {  	v13 =	vadd.s32 v4, v14;
	v14 =	vsel vm0, $0x1, v1  }
0x126: {  	(xrf0) =	vadd.scan.msk.s32 $0xffff, v14  }
.Ltmp5:
0x127: {  	(pc) =	sbr.rel @p0 .LBB2_13-.Ltmp5, $4  }
0x128: {  	_ = 	snop  }
0x129: {  	[tilespmem:v12+s10+$0x0] =	vst.idx.msk $0xffff, v1  }
0x12a: {  	[tilespmem:v13+s11+$0x0] =	vst.idx.msk $0xffff, v1  }
0x12b: {  	s20 =	spop (v2sf)  }
0x12c: {  	v11 =	vmov s17  }
0x12d: {  	vm1 =	veq.s32 v11, v0  }
0x12e: {  	v8 =	vnsel vm1, $0x0, v8  }
0x12f: {  	v9 =	vnsel vm1, $0x0, v9  }
0x130: {  	(xrf0) =	vadd.scan.msk.s32 $0xffff, v9  }
0x131: {  	(xrf0) =	vadd.scan.msk.s32 $0xffff, v8;
	v8, _, _ =	vpop (xrf0)  }
0x132: {  	(v2sf) =	vpush v8, $0xF;
	_ =	sdelay $0x5  }
0x133: {  	v8, _, _ =	vpop (xrf0)  }
0x134: {  	(v2sf) =	vpush v8, $0xF;
	v8, _, _ =	vpop (xrf0)  }
0x135: {  	(v2sf) =	vpush v8, $0xF;
	_ =	sdelay $0x6  }
0x136: {  	s18 =	sadd.s32 s18, s20;
	s28 =	spop (v2sf)  }
0x137: {  	s17 =	sadd.s32 s18, s28  }
0x138: {  	s22 =	sshll.u32 s16, $0x15;
	[tilespmem:s18+$0x6000] =	vst.msk vm0, v10;
	s29 =	sadd.s32 $0xF, s17  }
0x139: {  	s18 =	sxor.u32 $0x80000000, s22;
	[tilespmem:s17+$0x6000] =	vst v6;
	s17 =	sadd.s32 $0x801FFFFF, s22;
	s30 =	sand.u32 $0xF, s29  }
0x13a: {  	s21 =	sshra.s32 s29, $0x1F;
	p0 =	slt.s32 s29, $0x1;
	p1 =	sne.s32 s30, $0x0  }
.Ltmp6:
0x13b: {  	s21 =	sshrl.u32 s21, $0x1C;
	p0 =	por !p0, !p1;
	(pc) =	sbr.rel .LBB2_15-.Ltmp6, $4  }
0x13c: {  	s20 =	sadd.s32 s21, s29;
	s21 =	simm.s32 $0x1;
	p0 =	por !p0, !p0  }
0x13d: {  	s19 =	spop (v2sf);
	s20 =	sshra.s32 s20, $0x4;
	s21 =	simm.s32 @!p0 $0x0  }
0x13e: {  	s15 =	ssub.s32 s15, s19;
	s31 =	spop (v2sf);
	s16 =	ssub.s32 s20, s21  }
0x13f: {  	s19 =	simm.s32 $0x0;
	s15 =	sadd.s32 s31, s15;
	p0 =	slt.s32 s16, $0x1  }
.LBB2_17:
0x140: {  	s22 =	simm.s32 $0x0  }
.LBB2_28:
0x141: {  	v8 =	vsel vm0, $0x1, v1  }
0x142: {  	(xrf0) =	vadd.scan.msk.s32 $0xffff, v8;
	_ =	sdelay $0x2  }
0x143: {  	v8, _, _ =	vpop @p1 (xrf0)  }
0x144: {  	(v2sf) =	vpush @p1 v8, $0xF;
	_ =	sdelay $0x1  }
0x145: {  	v8, _, _ =	vpop (xrf0)  }
0x146: {  	(v2sf) =	vpush v8, $0xF;
	_ =	sdelay $0x7  }
0x147: {  	s24 =	spop @p3 (v2sf);
	s22 =	sadd.s32 @p4 s22, s23;
	s23 =	simm.s32 $0x0  }
0x148: {  	s24 =	smov.u32 @p3 s24;
	s23 =	smov.u32 @p4 s22  }
0x149: {  	s22 =	sadd.s32 @p3 s23, s24;
	s24 =	simm.s32 $0x0;
	s23 =	spop @p2 (v2sf)  }
0x14a: {  	s24 =	smov.u32 @p3 s22;
	s23 =	smov.u32 @p2 s23  }
0x14b: {  	s22 =	sadd.s32 @p2 s24, s23;
	s24 =	simm.s32 $0x0;
	s23 =	spop @p1 (v2sf)  }
0x14c: {  	s24 =	smov.u32 @p2 s22;
	s23 =	smov.u32 @p1 s23  }
0x14d: {  	s22 =	sadd.s32 @p1 s24, s23  }
0x14e: {  	s21 =	smov.u32 @p1 s22;
	s31 =	spop (v2sf)  }
0x14f: {  	s21 =	sadd.s32 s21, s31  }
.LBB2_29:
0x150: {  	s19 =	sadd.s32 $0x1, s19  }
0x151: {  	p2 =	seq.s32 s19, $0x15  }
.Ltmp7:
0x152: {  	_ = 	snop;
	(pc) =	sbr.rel @p2 .LBB2_30-.Ltmp7, $4  }
0x153: {  	_ = 	snop  }
0x154: {  	p1 =	slt.s32 s21, s15  }
0x155: {  	s21 =	sadd.s32 $0xFFFFFFFF, s20;
	s20 =	smov.u32 @p1 s18  }
0x156: {  	s17 =	smov.u32 @p1 s21;
	s18 =	smov.u32 s20  }
.LBB2_15:
.Ltmp8:
0x157: {  	(pc) =	sbr.rel @p0 .LBB2_29-.Ltmp8, $4  }
0x158: {  	s20 =	sxor.u32 s18, s17  }
0x159: {  	s21 =	sand.u32 s18, s17;
	s22 =	sshra.s32 s20, $0x1  }
0x15a: {  	s20 =	sand.u32 $0x1, s20;
	s21 =	sadd.s32 s22, s21  }
0x15b: {  	s20 =	sadd.s32 s20, s21;
	s21 =	simm.s32 $0x0  }
0x15c: {  	s21 =	simm.s32 $0x6000  }
0x15d: {  	p5 =	sne.s32 s16, $0x1;
	v9 =	vld [tilespmem:s21+$0x0]  }
.Ltmp9:
0x15e: {  	_ = 	snop;
	(pc) =	sbr.rel @!p5 .LBB2_17-.Ltmp9, $4  }
0x15f: {  	_ = 	snop  }
0x160: {  	s22 =	sadd.s32 $0xFFFFFFFF, s16  }
0x161: {  	v8 =	vmov s20;
	s23 =	simm.s32 $0x6010;
	p1 =	por $0x0, $0x0;
	p2 =	por $0x0, $0x0  }
0x162: {  	p3 =	por $0x0, $0x0;
	p4 =	por $0x0, $0x0;
	s21 =	simm.s32 $0x0;
	vm0 =	vge.s32 v9, v8  }
0x163: {  	v9 =	vld [tilespmem:s23+$0x0];
	p5 =	sne.s32 s22, $0x1  }
.Ltmp10:
0x164: {  	_ = 	snop;
	(pc) =	sbr.rel @!p5 .LBB2_19-.Ltmp10, $4  }
0x165: {  	_ = 	snop  }
0x166: {  	v10 =	vsel vm0, $0x1, v1  }
0x167: {  	(xrf0) =	vadd.scan.msk.s32 $0xffff, v10  }
0x168: {  	s22 =	sadd.s32 $0xFFFFFFFF, s22;
	s23 =	simm.s32 $0x6020;
	p1 =	por $0x1, $0x1;
	vm0 =	vge.s32 v9, v8  }
0x169: {  	v9 =	vld [tilespmem:s23+$0x0];
	p5 =	sne.s32 s22, $0x1  }
.Ltmp11:
0x16a: {  	_ = 	snop;
	(pc) =	sbr.rel @!p5 .LBB2_21-.Ltmp11, $4  }
0x16b: {  	_ = 	snop  }
0x16c: {  	v10 =	vsel vm0, $0x1, v1  }
0x16d: {  	v11, _, _ =	vpop (xrf0);
	(xrf0) =	vadd.scan.msk.s32 $0xffff, v10  }
0x16e: {  	s22 =	sadd.s32 $0xFFFFFFFF, s22;
	s23 =	simm.s32 $0x6030;
	p2 =	por $0x1, $0x1;
	(v2sf) =	vpush v11, $0xF;
	vm0 =	vge.s32 v9, v8  }
0x16f: {  	_ =	sdelay $0x3  }
0x170: {  	v11, _, _ =	vpop (xrf0)  }
0x171: {  	(v2sf) =	vpush v11, $0xF;
	_ =	sdelay $0x3  }
0x172: {  	v9 =	vld [tilespmem:s23+$0x0];
	p5 =	sne.s32 s22, $0x1  }
.Ltmp12:
0x173: {  	_ = 	snop;
	(pc) =	sbr.rel @!p5 .LBB2_23-.Ltmp12, $4  }
0x174: {  	_ = 	snop  }
0x175: {  	v10 =	vsel vm0, $0x1, v1  }
0x176: {  	(xrf0) =	vadd.scan.msk.s32 $0xffff, v10  }
0x177: {  	s22 =	sadd.s32 $0xFFFFFFFF, s22;
	s23 =	simm.s32 $0x6040;
	p3 =	por $0x1, $0x1;
	vm0 =	vge.s32 v9, v8  }
0x178: {  	_ =	sdelay $0x3  }
0x179: {  	v11, _, _ =	vpop (xrf0)  }
0x17a: {  	(v2sf) =	vpush v11, $0xF;
	_ =	sdelay $0x2  }
0x17b: {  	v9 =	vld [tilespmem:s23+$0x0];
	p5 =	sne.s32 s22, $0x1;
	v10 =	vsel vm0, $0x1, v1  }
.Ltmp13:
0x17c: {  	(xrf0) =	vadd.scan.msk.s32 $0xffff, v10;
	(pc) =	sbr.rel @!p5 .LBB2_25-.Ltmp13, $3  }
0x17d: {  	_ =	sdelay $0x1  }
0x17e: {  	s24 =	sadd.s32 $0xFFFFFFFF, s22;
	s25 =	simm.s32 $0x6050  }
0x17f: {  	s23 =	spop (v2sf);
	p4 =	por $0x1, $0x1;
	s22 =	simm.s32 $0x0;
	vm0 =	vge.s32 v9, v8  }
.LBB2_26:
0x180: {  	v9 =	vld [tilespmem:s25+$0x0];
	p5 =	sne.s32 s24, $0x1;
	s24 =	sadd.s32 $0xFFFFFFFF, s24;
	v11 =	vsel vm0, $0x1, v1;
	s22 =	sadd.s32 s22, s23  }
.Ltmp14:
0x181: {  	(xrf0) =	vadd.scan.msk.s32 $0xffff, v11;
	v10, _, _ =	vpop (xrf0);
	(pc) =	sbr.rel @p5 .LBB2_26-.Ltmp14, $2  }
0x182: {  	(v2sf) =	vpush v10, $0xF;
	_ =	sdelay $0x3  }
0x183: {  	s25 =	sadd.s32 $0x10, s25;
	vm0 =	vge.s32 v9, v8;
	s23 =	spop (v2sf)  }
.Ltmp15:
0x184: {  	(pc) =	sbr.rel .LBB2_28-.Ltmp15, $1  }
0x185: {  	_ =	sdelay $0x3  }
.LBB2_19:
.Ltmp16:
0x186: {  	(pc) =	sbr.rel .LBB2_28-.Ltmp16, $2  }
0x187: {  	_ =	sdelay $0x2  }
0x188: {  	s22 =	simm.s32 $0x0  }
.LBB2_21:
.Ltmp17:
0x189: {  	(pc) =	sbr.rel .LBB2_28-.Ltmp17, $2  }
0x18a: {  	_ =	sdelay $0x2  }
0x18b: {  	s22 =	simm.s32 $0x0  }
.LBB2_23:
.Ltmp18:
0x18c: {  	(pc) =	sbr.rel .LBB2_28-.Ltmp18, $2  }
0x18d: {  	_ =	sdelay $0x2  }
0x18e: {  	s22 =	simm.s32 $0x0  }
.LBB2_25:
.Ltmp19:
0x18f: {  	(pc) =	sbr.rel .LBB2_28-.Ltmp19, $2  }
0x190: {  	_ =	sdelay $0x2  }
0x191: {  	s22 =	simm.s32 $0x0  }
.LBB2_30:
0x192: {  	s15 =	simm.s32 $0x0  }
0x193: {  	v9 =	vld [tilespmem:s15+$0x2000]  }
0x194: {  	v8 =	vmov s20;
	s16 =	simm.s32 $0x40  }
.LBB2_31:
0x195: {  	p0 =	sne.s32 s16, $0x7FC0  }
.Ltmp20:
0x196: {  	_ = 	snop;
	(pc) =	sbr.rel @p0 .LBB2_31-.Ltmp20, $4  }
0x197: {  	_ = 	snop  }
0x198: {  	s17 =	sshra.s32 s16, $0x2;
	s16 =	sadd.s32 $0x40, s16;
	vm0 =	vlt.s32 v9, v8  }
0x199: {  	v9 =	vld [tilespmem:s17+$0x2000];
	v10 =	vsel vm0, $0x0, v7  }
0x19a: {  	[tilespmem:s15+$0x4000] =	vst v10;
	s15 =	smov.u32 s17  }
0x19b: {  	_ =	sdelay $0x2  }
0x19c: {  	s13 =	sadd.s32 $0x1, s13;
	vm0 =	vlt.s32 v9, v8  }
0x19d: {  	p0 =	sne.s32 s13, $0x4;
	v8 =	vsel vm0, $0x0, v7  }
.Ltmp21:
0x19e: {  	s14 =	sadd.s32 s1, s14;
	[tilespmem:s15+$0x4000] =	vst v8;
	(pc) =	sbr.rel @p0 .LBB2_6-.Ltmp21, $4  }
0x19f: {  	[hbm4b:s14+s7] =	stream.strided.scatter [tilespmem:s12], [sflag:$0x1], $0x2000, s8, s7, $0x38;
	[tilespmem:$0x10900] =	vst v63  }
0x1a0: {  	_ =	swait.ge [sflag:s9], $0x2000  }
0x1a1: {  	[sflag:s9] =	ssyncset.done $0x0  }
0x1a2: {  	[sflag:s9] =	ssyncadd.s32 $0xFFFFE000  }
0x1a3: {  	s2 =	sadd.s32 $0x1, s2  }
0x1a4: {  	p0 =	sne.s32 s2, s6  }
.Ltmp22:
0x1a5: {  	_ = 	snop;
	(pc) =	sbr.rel @p0 .LBB2_1-.Ltmp22, $1  }
0x1a6: {  	_ =	sdelay $0x3  }
0x1a7: {  	_ =	sfence.sel $0x180000  }
0x1a8: {  	[bflag:$0x0] =	sbarrier.arrive $0xFFFF  }
0x1a9: {  	p0 =	sne.s32 s3, $0x0;
	_ =	strace $0x90000047  }
0x1aa: {  	s0 =	sadd.s32 @!p0 $0x100000, s0;
	[bflag:$0x2] =	sbarrier.arrive $0xFFFF  }
0x1ab: {  	[sflag:s0] =	ssyncadd.tile.s32 @!p0 $0x1;
	_ =	shalt  }
.Lfunc_end2:
_tile_overlayer_lowered:
.L_overlay_start_2:
0x1ac: {  	(tag) =	ssettag $0x2  }
0x1ad: {  	s0 =	rddreg [dreg:$0x0];
	s2 =	stileid.u32  }
0x1ae: {  	s1 =	rddreg [dreg:$0x1];
	p0 =	sne.s32 s2, $0x0  }
0x1af: {  	s3 =	rddreg [dreg:$0x2];
	[bflag:$0x3] =	sbarrier.arrive $0xFFFF;
	s2 =	simm.s32 @!p0 $0x1C01  }
0x1b0: {  	[timem:s3], [sflag:s2] =	dma.local @!p0 [hbm:s0], s1  }
0x1b1: {  	s0 =	simm.s32 @!p0 $0x1  }
0x1b2: {  	_ =	swait.ge @!p0 [sflag:s0], s1  }
0x1b3: {  	s1 =	ssub.s32 @!p0 $0x0, s1;
	[sflag:s0] =	ssyncset.done @!p0 $0x0  }
0x1b4: {  	[sflag:s0] =	ssyncadd.s32 @!p0 s1  }
0x1b5: {  	[bflag:$0x3] =	sbarrier.arrive $0xFFFF  }
0x1b6: {  	_ =	shalt  }

</sc_bundles>
